<compile_context>
chip_gen: v7x
topology: tpu7x:2x2x1
jax: 0.10.2.dev20260603
libtpu: 0.0.44.dev20260713+nightly
codegen_flags: <defaults>
</compile_context>

<pallas_src>
import jax
import jax.numpy as jnp
from jax import lax
from jax.experimental import pallas as pl
from jax.experimental.pallas import tpu as pltpu, tpu_sc as plsc

N, B, L, D, H = 8192, 8, 2048, 512, 1024
R = 1024
NB = N // R
NC, NS = 2, 16
NW = NC * NS
CHUNK = N // NW
GW = 128


NPAD = 1024
_C1 = 0.7978845608028654
_C2 = _C1 * 0.044715


def _gelu2(x):
    u = x * (_C1 + _C2 * (x * x))
    return x * (1.0 + jnp.tanh(u))


def _table_body(x_ref, wff_ref, bff_ref, ws1_ref, bs1_ref, ws2_ref, bs2_ref,
                wff2_ref, bff2_ref, out_ref, wc1_s, bc1_s, wc2_s, bc2_s, pad_s):
    i = pl.program_id(0)
    f32 = jnp.float32
    bf16 = jnp.bfloat16

    @pl.when(i == 0)
    def _():
        wc1 = jnp.dot(wff_ref[...], ws1_ref[...], preferred_element_type=f32)
        wc1_s[...] = wc1.astype(bf16)
        bc1_s[...] = jnp.dot(bff_ref[...], ws1_ref[...],
                             preferred_element_type=f32) + bs1_ref[...]
        wc2 = jnp.dot(ws2_ref[...], wff2_ref[...], preferred_element_type=f32)
        wc2_s[...] = (0.5 * wc2).astype(bf16)
        bc2_s[...] = jnp.dot(bs2_ref[...], wff2_ref[...],
                             preferred_element_type=f32) + bff2_ref[...]
        pad_s[...] = (jnp.dot(_gelu2(bs1_ref[...]).astype(bf16), wc2_s[...],
                              preferred_element_type=f32) + bc2_s[...])

    @pl.when(i < NB)
    def _():
        pre = jnp.dot(x_ref[...].astype(bf16), wc1_s[...],
                      preferred_element_type=f32) + bc1_s[...]
        out_ref[...] = (jnp.dot(_gelu2(pre).astype(bf16), wc2_s[...],
                                preferred_element_type=f32) + bc2_s[...])

    @pl.when(i >= NB)
    def _():
        out_ref[...] = jnp.broadcast_to(pad_s[...], (R, D))


def _table(in_feats, W_ff, b_ff, W_s1, b_s1, W_s2, b_s2, W_ff2, b_ff2):
    full = lambda r, c: pl.BlockSpec((r, c), lambda i: (0, 0))
    f32 = jnp.float32
    return pl.pallas_call(
        _table_body,
        grid=(NB + NPAD // R,),
        in_specs=[
            pl.BlockSpec((R, D), lambda i: (jnp.minimum(i, NB - 1), 0)),
            full(D, D), full(1, D), full(D, H), full(1, H),
            full(H, D), full(1, D), full(D, D), full(1, D),
        ],
        out_specs=pl.BlockSpec((R, D), lambda i: (i, 0)),
        out_shape=jax.ShapeDtypeStruct((N + NPAD, D), f32),
        scratch_shapes=[
            pltpu.VMEM((D, H), jnp.bfloat16),
            pltpu.VMEM((1, H), f32),
            pltpu.VMEM((H, D), jnp.bfloat16),
            pltpu.VMEM((1, D), f32),
            pltpu.VMEM((1, D), f32),
        ],
    )(in_feats, W_ff, b_ff.reshape(1, D), W_s1, b_s1.reshape(1, H),
      W_s2, b_s2.reshape(1, D), W_ff2, b_ff2.reshape(1, D))


GSUB = 32
NG = CHUNK // GSUB


NBUF = 6
DEPTH = 4


def _sc_gather_body(table_hbm, n2s_hbm, s2n_hbm, out_hbm,
                    sbv, spv, fidx, nidx, rows,
                    g0s, g1s, g2s, g3s, g4s, g5s, w0s, w1s, w2s, w3s, w4s, w5s):
    gsems = (g0s, g1s, g2s, g3s, g4s, g5s)
    wsems = (w0s, w1s, w2s, w3s, w4s, w5s)
    wid = lax.axis_index("s") * NC + lax.axis_index("c")
    base = wid * CHUNK
    cb = pltpu.async_copy(s2n_hbm.at[0, pl.ds(base, CHUNK)], sbv, gsems[0])
    cp = pltpu.async_copy(s2n_hbm.at[1, pl.ds(base, CHUNK)], spv, gsems[1])
    cb.wait()
    cp.wait()

    def fidx_half(j):
        for o in range(GW // 16):
            k = j * (GW // 16) + o
            sl = pl.ds(k * 16, 16)
            fidx[j, pl.ds(o * 16, 16)] = sbv[sl] * L + spv[sl]

    fidx_half(0)
    g0 = pltpu.async_copy(n2s_hbm.at[fidx.at[0]], nidx.at[0], gsems[0])
    fidx_half(1)
    g1 = pltpu.async_copy(n2s_hbm.at[fidx.at[1]], nidx.at[1], gsems[1])

    lane = lax.iota(jnp.int32, 16)

    def remap_half(j):
        for o in range(GW // 16):
            sl = pl.ds(o * 16, 16)
            v = nidx[j, sl]
            padrow = N + ((base + (j * (GW // 16) + o) * 16 + lane) & (NPAD - 1))
            nidx[j, sl] = jnp.where(v < 0, padrow, v)

    gcopy, wcopy = [None] * NBUF, [None] * NBUF

    def start_gather(g):
        b = g % NBUF
        j, o = divmod(g, GW // GSUB)
        idx = nidx.at[j, pl.ds(o * GSUB, GSUB)]
        gcopy[b] = pltpu.async_copy(table_hbm.at[idx], rows.at[b], gsems[b])

    g0.wait()
    remap_half(0)
    for g in range(DEPTH):
        start_gather(g)
    g1.wait()
    remap_half(1)
    for g in range(NG):
        if g + DEPTH < NG:
            b2 = (g + DEPTH) % NBUF
            if wcopy[b2] is not None:
                wcopy[b2].wait()
            start_gather(g + DEPTH)
        b = g % NBUF
        gcopy[b].wait()
        wcopy[b] = pltpu.async_copy(
            rows.at[b], out_hbm.at[pl.ds(base + g * GSUB, GSUB)], wsems[b])
    for b in range(NBUF):
        if wcopy[b] is not None:
            wcopy[b].wait()


def _sc_gather(table_ext, n2s_flat, seq2node):
    mesh = plsc.VectorSubcoreMesh(core_axis_name="c", subcore_axis_name="s")
    f = pl.kernel(
        _sc_gather_body,
        out_type=jax.ShapeDtypeStruct((N, D), jnp.float32),
        mesh=mesh,
        scratch_types=[
            pltpu.VMEM((CHUNK,), jnp.int32),
            pltpu.VMEM((CHUNK,), jnp.int32),
            pltpu.VMEM((CHUNK // GW, GW), jnp.int32),
            pltpu.VMEM((CHUNK // GW, GW), jnp.int32),
            pltpu.VMEM((NBUF, GSUB, D), jnp.float32),
            pltpu.SemaphoreType.DMA,
            pltpu.SemaphoreType.DMA,
            pltpu.SemaphoreType.DMA,
            pltpu.SemaphoreType.DMA,
            pltpu.SemaphoreType.DMA,
            pltpu.SemaphoreType.DMA,
            pltpu.SemaphoreType.DMA,
            pltpu.SemaphoreType.DMA,
            pltpu.SemaphoreType.DMA,
            pltpu.SemaphoreType.DMA,
            pltpu.SemaphoreType.DMA,
            pltpu.SemaphoreType.DMA,
        ],
    )
    return f(table_ext, n2s_flat, seq2node)


def kernel(graph, in_feats, node2seq, seq2node, W_ff, b_ff, W_s1, b_s1,
           W_s2, b_s2, W_ff2, b_ff2):
    table_ext = _table(in_feats, W_ff, b_ff, W_s1, b_s1, W_s2, b_s2,
                       W_ff2, b_ff2)
    n2s_flat = node2seq.reshape(-1).astype(jnp.int32)
    return _sc_gather(table_ext, n2s_flat, seq2node.astype(jnp.int32))

# --- scband reference (transcript-rebuilt; emitter-appended) ---
"""Pipeline reference for scband-block-18760417148934 (READ-ONLY COPY).

The authoritative reference and input builder live on the scoring server;
editing this copy changes nothing except your own understanding.
"""

import jax, jax.numpy as jnp
import numpy as np

N, B, L, D, H = 8192, 8, 2048, 512, 1024

def setup_inputs(seed: int = 0):
    key = jax.random.key(seed)
    ks = jax.random.split(key, 10)
    in_feats = jax.random.normal(ks[0], (N, D), dtype=jnp.float32)
    node2seq = jax.random.randint(ks[1], (B, L), 0, N)
    node2seq = node2seq.at[:, L // 2:].set(-1)  # padding slots
    sb = jax.random.randint(ks[2], (N,), 0, B)
    sp = jax.random.randint(ks[3], (N,), 0, L)
    seq2node = jnp.stack([sb, sp], axis=0)
    graph = jnp.zeros((1,), dtype=jnp.float32)  # dummy, conv_layer is None
    s = 0.02
    W_ff = s * jax.random.normal(ks[4], (D, D), dtype=jnp.float32)
    b_ff = jnp.zeros((D,), dtype=jnp.float32)
    W_s1 = s * jax.random.normal(ks[5], (D, H), dtype=jnp.float32)
    b_s1 = jnp.zeros((H,), dtype=jnp.float32)
    W_s2 = s * jax.random.normal(ks[6], (H, D), dtype=jnp.float32)
    b_s2 = jnp.zeros((D,), dtype=jnp.float32)
    W_ff2 = s * jax.random.normal(ks[7], (D, D), dtype=jnp.float32)
    b_ff2 = jnp.zeros((D,), dtype=jnp.float32)
    return {"graph": graph, "in_feats": in_feats, "node2seq": node2seq,
            "seq2node": seq2node, "W_ff": W_ff, "b_ff": b_ff,
            "W_s1": W_s1, "b_s1": b_s1, "W_s2": W_s2, "b_s2": b_s2,
            "W_ff2": W_ff2, "b_ff2": b_ff2}

def reference(graph, in_feats, node2seq, seq2node, W_ff, b_ff, W_s1, b_s1, W_s2, b_s2, W_ff2, b_ff2):
    # conv_layer is None -> out_feats = in_feats
    out_feats = in_feats
    # ff: Linear(D, D)
    out_feats = out_feats @ W_ff + b_ff
    # gather nodes into padded sequences [B, L, D]
    seq_feats = out_feats[node2seq]  # negative indices wrap like torch
    seq_feats = jnp.where(node2seq[..., None] < 0, 0.0, seq_feats)
    # seq_layer: position-wise MLP over sequences (seq_mask is None path)
    seq_feats = jax.nn.gelu(seq_feats @ W_s1 + b_s1) @ W_s2 + b_s2
    # scatter back to flat node layout via (batch_idx, pos_idx) tuple indexing
    out_feats = seq_feats[seq2node[0], seq2node[1]]  # [N, D]
    # ff2: Linear(D, D)
    out_feats = out_feats @ W_ff2 + b_ff2
    return out_feats

if __name__ == "__main__":
    import jax
    _d = setup_inputs()
    print(jax.jit(kernel)(*tuple(_d.values())))

</pallas_src>

<mosaic_0001>
#map = affine_map<(d0, d1) -> (0, 0)>
#map1 = affine_map<(d0, d1) -> (0)>
module attributes {stable_mosaic.version = 14 : i64} {
  func.func @_sc_gather_body(%arg0: i32, %arg1: i32, %arg2: memref<9216x512xf32, #tpu.memory_space<hbm>>, %arg3: memref<16384xi32, #tpu.memory_space<hbm>>, %arg4: memref<2x8192xi32, #tpu.memory_space<hbm>>, %arg5: memref<8192x512xf32, #tpu.memory_space<hbm>>, %arg6: memref<256xi32, #tpu.memory_space<vmem>>, %arg7: memref<256xi32, #tpu.memory_space<vmem>>, %arg8: memref<2x128xi32, #tpu.memory_space<vmem>>, %arg9: memref<2x128xi32, #tpu.memory_space<vmem>>, %arg10: memref<6x32x512xf32, #tpu.memory_space<vmem>>, %arg11: memref<!tpu.dma_semaphore, #tpu.memory_space<semaphore_mem>>, %arg12: memref<!tpu.dma_semaphore, #tpu.memory_space<semaphore_mem>>, %arg13: memref<!tpu.dma_semaphore, #tpu.memory_space<semaphore_mem>>, %arg14: memref<!tpu.dma_semaphore, #tpu.memory_space<semaphore_mem>>, %arg15: memref<!tpu.dma_semaphore, #tpu.memory_space<semaphore_mem>>, %arg16: memref<!tpu.dma_semaphore, #tpu.memory_space<semaphore_mem>>, %arg17: memref<!tpu.dma_semaphore, #tpu.memory_space<semaphore_mem>>, %arg18: memref<!tpu.dma_semaphore, #tpu.memory_space<semaphore_mem>>, %arg19: memref<!tpu.dma_semaphore, #tpu.memory_space<semaphore_mem>>, %arg20: memref<!tpu.dma_semaphore, #tpu.memory_space<semaphore_mem>>, %arg21: memref<!tpu.dma_semaphore, #tpu.memory_space<semaphore_mem>>, %arg22: memref<!tpu.dma_semaphore, #tpu.memory_space<semaphore_mem>>) attributes {dimension_semantics = [#tpu.dimension_semantics<core_parallel>, #tpu.dimension_semantics<subcore_parallel>], iteration_bounds = array<i64: 2, 16>, scalar_prefetch = 0 : i64, scratch_operands = 17 : i64, tpu.core_type = #tpu.core_type<sc_vector_subcore>, window_params = [{transform_indices = #map}, {transform_indices = #map1}, {transform_indices = #map}, {transform_indices = #map}]} {
    %mul3A = arith.constant 2 : i32
    %mul3A_0 = arith.muli %arg1, %mul3A : i32
    %add3A = arith.addi %mul3A_0, %arg0 : i32
    %mul3A_1 = arith.constant 256 : i32
    %mul3A_2 = arith.muli %add3A, %mul3A_1 : i32
    %dma_start3A = arith.constant 0 : i32
    %dma_start3A_3 = tpu.memref_slice %arg4[%dma_start3A, %mul3A_2] : memref<2x8192xi32, #tpu.memory_space<hbm>> -> memref<1x256xi32, #tpu.memory_space<hbm>>
    %dma_start3A_4 = tpu.memref_squeeze %dma_start3A_3 : memref<1x256xi32, #tpu.memory_space<hbm>> -> memref<256xi32, #tpu.memory_space<hbm>>
    %dma_start3A_5 = tpu.memref_slice %arg4[%dma_start3A, %mul3A_2] : memref<2x8192xi32, #tpu.memory_space<hbm>> -> memref<1x256xi32, #tpu.memory_space<hbm>>
    %dma_start3A_6 = tpu.memref_squeeze %dma_start3A_5 : memref<1x256xi32, #tpu.memory_space<hbm>> -> memref<256xi32, #tpu.memory_space<hbm>>
    tpu.enqueue_dma source(%dma_start3A_6 : memref<256xi32, #tpu.memory_space<hbm>>) target(%arg6 : memref<256xi32, #tpu.memory_space<vmem>>) target_semaphore(%arg11 : memref<!tpu.dma_semaphore, #tpu.memory_space<semaphore_mem>>)
    %dma_start3A_7 = arith.constant 1 : i32
    %dma_start3A_8 = tpu.memref_slice %arg4[%dma_start3A_7, %mul3A_2] : memref<2x8192xi32, #tpu.memory_space<hbm>> -> memref<1x256xi32, #tpu.memory_space<hbm>>
    %dma_start3A_9 = tpu.memref_squeeze %dma_start3A_8 : memref<1x256xi32, #tpu.memory_space<hbm>> -> memref<256xi32, #tpu.memory_space<hbm>>
    %dma_start3A_10 = tpu.memref_slice %arg4[%dma_start3A_7, %mul3A_2] : memref<2x8192xi32, #tpu.memory_space<hbm>> -> memref<1x256xi32, #tpu.memory_space<hbm>>
    %dma_start3A_11 = tpu.memref_squeeze %dma_start3A_10 : memref<1x256xi32, #tpu.memory_space<hbm>> -> memref<256xi32, #tpu.memory_space<hbm>>
    tpu.enqueue_dma source(%dma_start3A_11 : memref<256xi32, #tpu.memory_space<hbm>>) target(%arg7 : memref<256xi32, #tpu.memory_space<vmem>>) target_semaphore(%arg12 : memref<!tpu.dma_semaphore, #tpu.memory_space<semaphore_mem>>)
    %dma_wait3A = arith.constant 0 : i32
    %dma_wait3A_12 = tpu.memref_slice %arg4[%dma_wait3A, %mul3A_2] : memref<2x8192xi32, #tpu.memory_space<hbm>> -> memref<1x256xi32, #tpu.memory_space<hbm>>
    %dma_wait3A_13 = tpu.memref_squeeze %dma_wait3A_12 : memref<1x256xi32, #tpu.memory_space<hbm>> -> memref<256xi32, #tpu.memory_space<hbm>>
    %dma_wait3A_14 = tpu.memref_slice %arg4[%dma_wait3A, %mul3A_2] : memref<2x8192xi32, #tpu.memory_space<hbm>> -> memref<1x256xi32, #tpu.memory_space<hbm>>
    %dma_wait3A_15 = tpu.memref_squeeze %dma_wait3A_14 : memref<1x256xi32, #tpu.memory_space<hbm>> -> memref<256xi32, #tpu.memory_space<hbm>>
    tpu.wait_dma2 semaphore(%arg11 : memref<!tpu.dma_semaphore, #tpu.memory_space<semaphore_mem>>) src(%dma_wait3A_15 : memref<256xi32, #tpu.memory_space<hbm>>) dst(%arg6 : memref<256xi32, #tpu.memory_space<vmem>>)
    %dma_wait3A_16 = arith.constant 1 : i32
    %dma_wait3A_17 = tpu.memref_slice %arg4[%dma_wait3A_16, %mul3A_2] : memref<2x8192xi32, #tpu.memory_space<hbm>> -> memref<1x256xi32, #tpu.memory_space<hbm>>
    %dma_wait3A_18 = tpu.memref_squeeze %dma_wait3A_17 : memref<1x256xi32, #tpu.memory_space<hbm>> -> memref<256xi32, #tpu.memory_space<hbm>>
    %dma_wait3A_19 = tpu.memref_slice %arg4[%dma_wait3A_16, %mul3A_2] : memref<2x8192xi32, #tpu.memory_space<hbm>> -> memref<1x256xi32, #tpu.memory_space<hbm>>
    %dma_wait3A_20 = tpu.memref_squeeze %dma_wait3A_19 : memref<1x256xi32, #tpu.memory_space<hbm>> -> memref<256xi32, #tpu.memory_space<hbm>>
    tpu.wait_dma2 semaphore(%arg12 : memref<!tpu.dma_semaphore, #tpu.memory_space<semaphore_mem>>) src(%dma_wait3A_20 : memref<256xi32, #tpu.memory_space<hbm>>) dst(%arg7 : memref<256xi32, #tpu.memory_space<vmem>>)
    %get3A = arith.constant 0 : index
    %get3A_21 = tpu.vector_load %arg6[%get3A] {strides = array<i32>} : memref<256xi32, #tpu.memory_space<vmem>>, vector<16xi32>,
    %get3A_22 = vector.shape_cast %get3A_21 : vector<16xi32> to vector<16xi32>
    %mul3A_23 = arith.constant 2048 : i32
    %mul3A_24 = vector.broadcast %mul3A_23 : i32 to vector<16xi32>
    %mul3A_25 = arith.muli %get3A_22, %mul3A_24 : vector<16xi32>
    %get3A_26 = arith.constant 0 : index
    %get3A_27 = tpu.vector_load %arg7[%get3A_26] {strides = array<i32>} : memref<256xi32, #tpu.memory_space<vmem>>, vector<16xi32>,
    %get3A_28 = vector.shape_cast %get3A_27 : vector<16xi32> to vector<16xi32>
    %add3A_29 = arith.addi %mul3A_25, %get3A_28 : vector<16xi32>
    %swap3A = arith.constant 0 : i32
    %swap3A_30 = arith.index_cast %swap3A : i32 to index
    %swap3A_31 = arith.constant 0 : index
    %swap3A_32 = tpu.vector_load %arg8[%swap3A_30, %swap3A_31] {strides = array<i32>} : memref<2x128xi32, #tpu.memory_space<vmem>>, vector<1x16xi32>,
    %swap3A_33 = vector.shape_cast %swap3A_32 : vector<1x16xi32> to vector<16xi32>
    %swap3A_34 = vector.shape_cast %add3A_29 : vector<16xi32> to vector<1x16xi32>
    tpu.vector_store %arg8[%swap3A_30, %swap3A_31], %swap3A_34 {strides = array<i32>} : memref<2x128xi32, #tpu.memory_space<vmem>>, vector<1x16xi32>,
    %get3A_35 = arith.constant 16 : index
    %get3A_36 = tpu.vector_load %arg6[%get3A_35] {strides = array<i32>} : memref<256xi32, #tpu.memory_space<vmem>>, vector<16xi32>,
    %get3A_37 = vector.shape_cast %get3A_36 : vector<16xi32> to vector<16xi32>
    %mul3A_38 = arith.constant 2048 : i32
    %mul3A_39 = vector.broadcast %mul3A_38 : i32 to vector<16xi32>
    %mul3A_40 = arith.muli %get3A_37, %mul3A_39 : vector<16xi32>
    %get3A_41 = arith.constant 16 : index
    %get3A_42 = tpu.vector_load %arg7[%get3A_41] {strides = array<i32>} : memref<256xi32, #tpu.memory_space<vmem>>, vector<16xi32>,
    %get3A_43 = vector.shape_cast %get3A_42 : vector<16xi32> to vector<16xi32>
    %add3A_44 = arith.addi %mul3A_40, %get3A_43 : vector<16xi32>
    %swap3A_45 = arith.constant 0 : i32
    %swap3A_46 = arith.index_cast %swap3A_45 : i32 to index
    %swap3A_47 = arith.constant 16 : index
    %swap3A_48 = tpu.vector_load %arg8[%swap3A_46, %swap3A_47] {strides = array<i32>} : memref<2x128xi32, #tpu.memory_space<vmem>>, vector<1x16xi32>,
    %swap3A_49 = vector.shape_cast %swap3A_48 : vector<1x16xi32> to vector<16xi32>
    %swap3A_50 = vector.shape_cast %add3A_44 : vector<16xi32> to vector<1x16xi32>
    tpu.vector_store %arg8[%swap3A_46, %swap3A_47], %swap3A_50 {strides = array<i32>} : memref<2x128xi32, #tpu.memory_space<vmem>>, vector<1x16xi32>,
    %get3A_51 = arith.constant 32 : index
    %get3A_52 = tpu.vector_load %arg6[%get3A_51] {strides = array<i32>} : memref<256xi32, #tpu.memory_space<vmem>>, vector<16xi32>,
    %get3A_53 = vector.shape_cast %get3A_52 : vector<16xi32> to vector<16xi32>
    %mul3A_54 = arith.constant 2048 : i32
    %mul3A_55 = vector.broadcast %mul3A_54 : i32 to vector<16xi32>
    %mul3A_56 = arith.muli %get3A_53, %mul3A_55 : vector<16xi32>
    %get3A_57 = arith.constant 32 : index
    %get3A_58 = tpu.vector_load %arg7[%get3A_57] {strides = array<i32>} : memref<256xi32, #tpu.memory_space<vmem>>, vector<16xi32>,
    %get3A_59 = vector.shape_cast %get3A_58 : vector<16xi32> to vector<16xi32>
    %add3A_60 = arith.addi %mul3A_56, %get3A_59 : vector<16xi32>
    %swap3A_61 = arith.constant 0 : i32
    %swap3A_62 = arith.index_cast %swap3A_61 : i32 to index
    %swap3A_63 = arith.constant 32 : index
    %swap3A_64 = tpu.vector_load %arg8[%swap3A_62, %swap3A_63] {strides = array<i32>} : memref<2x128xi32, #tpu.memory_space<vmem>>, vector<1x16xi32>,
    %swap3A_65 = vector.shape_cast %swap3A_64 : vector<1x16xi32> to vector<16xi32>
    %swap3A_66 = vector.shape_cast %add3A_60 : vector<16xi32> to vector<1x16xi32>
    tpu.vector_store %arg8[%swap3A_62, %swap3A_63], %swap3A_66 {strides = array<i32>} : memref<2x128xi32, #tpu.memory_space<vmem>>, vector<1x16xi32>,
    %get3A_67 = arith.constant 48 : index
    %get3A_68 = tpu.vector_load %arg6[%get3A_67] {strides = array<i32>} : memref<256xi32, #tpu.memory_space<vmem>>, vector<16xi32>,
    %get3A_69 = vector.shape_cast %get3A_68 : vector<16xi32> to vector<16xi32>
    %mul3A_70 = arith.constant 2048 : i32
    %mul3A_71 = vector.broadcast %mul3A_70 : i32 to vector<16xi32>
    %mul3A_72 = arith.muli %get3A_69, %mul3A_71 : vector<16xi32>
    %get3A_73 = arith.constant 48 : index
    %get3A_74 = tpu.vector_load %arg7[%get3A_73] {strides = array<i32>} : memref<256xi32, #tpu.memory_space<vmem>>, vector<16xi32>,
    %get3A_75 = vector.shape_cast %get3A_74 : vector<16xi32> to vector<16xi32>
    %add3A_76 = arith.addi %mul3A_72, %get3A_75 : vector<16xi32>
    %swap3A_77 = arith.constant 0 : i32
    %swap3A_78 = arith.index_cast %swap3A_77 : i32 to index
    %swap3A_79 = arith.constant 48 : index
    %swap3A_80 = tpu.vector_load %arg8[%swap3A_78, %swap3A_79] {strides = array<i32>} : memref<2x128xi32, #tpu.memory_space<vmem>>, vector<1x16xi32>,
    %swap3A_81 = vector.shape_cast %swap3A_80 : vector<1x16xi32> to vector<16xi32>
    %swap3A_82 = vector.shape_cast %add3A_76 : vector<16xi32> to vector<1x16xi32>
    tpu.vector_store %arg8[%swap3A_78, %swap3A_79], %swap3A_82 {strides = array<i32>} : memref<2x128xi32, #tpu.memory_space<vmem>>, vector<1x16xi32>,
    %get3A_83 = arith.constant 64 : index
    %get3A_84 = tpu.vector_load %arg6[%get3A_83] {strides = array<i32>} : memref<256xi32, #tpu.memory_space<vmem>>, vector<16xi32>,
    %get3A_85 = vector.shape_cast %get3A_84 : vector<16xi32> to vector<16xi32>
    %mul3A_86 = arith.constant 2048 : i32
    %mul3A_87 = vector.broadcast %mul3A_86 : i32 to vector<16xi32>
    %mul3A_88 = arith.muli %get3A_85, %mul3A_87 : vector<16xi32>
    %get3A_89 = arith.constant 64 : index
    %get3A_90 = tpu.vector_load %arg7[%get3A_89] {strides = array<i32>} : memref<256xi32, #tpu.memory_space<vmem>>, vector<16xi32>,
    %get3A_91 = vector.shape_cast %get3A_90 : vector<16xi32> to vector<16xi32>
    %add3A_92 = arith.addi %mul3A_88, %get3A_91 : vector<16xi32>
    %swap3A_93 = arith.constant 0 : i32
    %swap3A_94 = arith.index_cast %swap3A_93 : i32 to index
    %swap3A_95 = arith.constant 64 : index
    %swap3A_96 = tpu.vector_load %arg8[%swap3A_94, %swap3A_95] {strides = array<i32>} : memref<2x128xi32, #tpu.memory_space<vmem>>, vector<1x16xi32>,
    %swap3A_97 = vector.shape_cast %swap3A_96 : vector<1x16xi32> to vector<16xi32>
    %swap3A_98 = vector.shape_cast %add3A_92 : vector<16xi32> to vector<1x16xi32>
    tpu.vector_store %arg8[%swap3A_94, %swap3A_95], %swap3A_98 {strides = array<i32>} : memref<2x128xi32, #tpu.memory_space<vmem>>, vector<1x16xi32>,
    %get3A_99 = arith.constant 80 : index
    %get3A_100 = tpu.vector_load %arg6[%get3A_99] {strides = array<i32>} : memref<256xi32, #tpu.memory_space<vmem>>, vector<16xi32>,
    %get3A_101 = vector.shape_cast %get3A_100 : vector<16xi32> to vector<16xi32>
    %mul3A_102 = arith.constant 2048 : i32
    %mul3A_103 = vector.broadcast %mul3A_102 : i32 to vector<16xi32>
    %mul3A_104 = arith.muli %get3A_101, %mul3A_103 : vector<16xi32>
    %get3A_105 = arith.constant 80 : index
    %get3A_106 = tpu.vector_load %arg7[%get3A_105] {strides = array<i32>} : memref<256xi32, #tpu.memory_space<vmem>>, vector<16xi32>,
    %get3A_107 = vector.shape_cast %get3A_106 : vector<16xi32> to vector<16xi32>
    %add3A_108 = arith.addi %mul3A_104, %get3A_107 : vector<16xi32>
    %swap3A_109 = arith.constant 0 : i32
    %swap3A_110 = arith.index_cast %swap3A_109 : i32 to index
    %swap3A_111 = arith.constant 80 : index
    %swap3A_112 = tpu.vector_load %arg8[%swap3A_110, %swap3A_111] {strides = array<i32>} : memref<2x128xi32, #tpu.memory_space<vmem>>, vector<1x16xi32>,
    %swap3A_113 = vector.shape_cast %swap3A_112 : vector<1x16xi32> to vector<16xi32>
    %swap3A_114 = vector.shape_cast %add3A_108 : vector<16xi32> to vector<1x16xi32>
    tpu.vector_store %arg8[%swap3A_110, %swap3A_111], %swap3A_114 {strides = array<i32>} : memref<2x128xi32, #tpu.memory_space<vmem>>, vector<1x16xi32>,
    %get3A_115 = arith.constant 96 : index
    %get3A_116 = tpu.vector_load %arg6[%get3A_115] {strides = array<i32>} : memref<256xi32, #tpu.memory_space<vmem>>, vector<16xi32>,
    %get3A_117 = vector.shape_cast %get3A_116 : vector<16xi32> to vector<16xi32>
    %mul3A_118 = arith.constant 2048 : i32
    %mul3A_119 = vector.broadcast %mul3A_118 : i32 to vector<16xi32>
    %mul3A_120 = arith.muli %get3A_117, %mul3A_119 : vector<16xi32>
    %get3A_121 = arith.constant 96 : index
    %get3A_122 = tpu.vector_load %arg7[%get3A_121] {strides = array<i32>} : memref<256xi32, #tpu.memory_space<vmem>>, vector<16xi32>,
    %get3A_123 = vector.shape_cast %get3A_122 : vector<16xi32> to vector<16xi32>
    %add3A_124 = arith.addi %mul3A_120, %get3A_123 : vector<16xi32>
    %swap3A_125 = arith.constant 0 : i32
    %swap3A_126 = arith.index_cast %swap3A_125 : i32 to index
    %swap3A_127 = arith.constant 96 : index
    %swap3A_128 = tpu.vector_load %arg8[%swap3A_126, %swap3A_127] {strides = array<i32>} : memref<2x128xi32, #tpu.memory_space<vmem>>, vector<1x16xi32>,
    %swap3A_129 = vector.shape_cast %swap3A_128 : vector<1x16xi32> to vector<16xi32>
    %swap3A_130 = vector.shape_cast %add3A_124 : vector<16xi32> to vector<1x16xi32>
    tpu.vector_store %arg8[%swap3A_126, %swap3A_127], %swap3A_130 {strides = array<i32>} : memref<2x128xi32, #tpu.memory_space<vmem>>, vector<1x16xi32>,
    %get3A_131 = arith.constant 112 : index
    %get3A_132 = tpu.vector_load %arg6[%get3A_131] {strides = array<i32>} : memref<256xi32, #tpu.memory_space<vmem>>, vector<16xi32>,
    %get3A_133 = vector.shape_cast %get3A_132 : vector<16xi32> to vector<16xi32>
    %mul3A_134 = arith.constant 2048 : i32
    %mul3A_135 = vector.broadcast %mul3A_134 : i32 to vector<16xi32>
    %mul3A_136 = arith.muli %get3A_133, %mul3A_135 : vector<16xi32>
    %get3A_137 = arith.constant 112 : index
    %get3A_138 = tpu.vector_load %arg7[%get3A_137] {strides = array<i32>} : memref<256xi32, #tpu.memory_space<vmem>>, vector<16xi32>,
    %get3A_139 = vector.shape_cast %get3A_138 : vector<16xi32> to vector<16xi32>
    %add3A_140 = arith.addi %mul3A_136, %get3A_139 : vector<16xi32>
    %swap3A_141 = arith.constant 0 : i32
    %swap3A_142 = arith.index_cast %swap3A_141 : i32 to index
    %swap3A_143 = arith.constant 112 : index
    %swap3A_144 = tpu.vector_load %arg8[%swap3A_142, %swap3A_143] {strides = array<i32>} : memref<2x128xi32, #tpu.memory_space<vmem>>, vector<1x16xi32>,
    %swap3A_145 = vector.shape_cast %swap3A_144 : vector<1x16xi32> to vector<16xi32>
    %swap3A_146 = vector.shape_cast %add3A_140 : vector<16xi32> to vector<1x16xi32>
    tpu.vector_store %arg8[%swap3A_142, %swap3A_143], %swap3A_146 {strides = array<i32>} : memref<2x128xi32, #tpu.memory_space<vmem>>, vector<1x16xi32>,
    %dma_start3A_147 = arith.constant 0 : i32
    %dma_start3A_148 = arith.constant 0 : i32
    %dma_start3A_149 = arith.constant 0 : i32
    %dma_start3A_150 = tpu.memref_slice %arg9[%dma_start3A_148, %dma_start3A_149] : memref<2x128xi32, #tpu.memory_space<vmem>> -> memref<1x128xi32, #tpu.memory_space<vmem>>
    %dma_start3A_151 = tpu.memref_squeeze %dma_start3A_150 : memref<1x128xi32, #tpu.memory_space<vmem>> -> memref<128xi32, #tpu.memory_space<vmem>>
    %dma_start3A_152 = arith.constant 0 : i32
    %dma_start3A_153 = tpu.memref_slice %arg8[%dma_start3A_147, %dma_start3A_152] : memref<2x128xi32, #tpu.memory_space<vmem>> -> memref<1x128xi32, #tpu.memory_space<vmem>>
    %dma_start3A_154 = tpu.memref_squeeze %dma_start3A_153 : memref<1x128xi32, #tpu.memory_space<vmem>> -> memref<128xi32, #tpu.memory_space<vmem>>
    %dma_start3A_155 = arith.constant 0 : i32
    %dma_start3A_156 = tpu.memref_slice %arg3[%dma_start3A_155] : memref<16384xi32, #tpu.memory_space<hbm>> -> memref<16384xi32, #tpu.memory_space<hbm>>
    tpu.enqueue_indirect_dma source(%dma_start3A_156 : memref<16384xi32, #tpu.memory_space<hbm>>) target(%dma_start3A_151 : memref<128xi32, #tpu.memory_space<vmem>>) offsets(%dma_start3A_154 : memref<128xi32, #tpu.memory_space<vmem>>) semaphore(%arg11 : memref<!tpu.dma_semaphore, #tpu.memory_space<semaphore_mem>>)
    %get3A_157 = arith.constant 128 : index
    %get3A_158 = tpu.vector_load %arg6[%get3A_157] {strides = array<i32>} : memref<256xi32, #tpu.memory_space<vmem>>, vector<16xi32>,
    %get3A_159 = vector.shape_cast %get3A_158 : vector<16xi32> to vector<16xi32>
    %mul3A_160 = arith.constant 2048 : i32
    %mul3A_161 = vector.broadcast %mul3A_160 : i32 to vector<16xi32>
    %mul3A_162 = arith.muli %get3A_159, %mul3A_161 : vector<16xi32>
    %get3A_163 = arith.constant 128 : index
    %get3A_164 = tpu.vector_load %arg7[%get3A_163] {strides = array<i32>} : memref<256xi32, #tpu.memory_space<vmem>>, vector<16xi32>,
    %get3A_165 = vector.shape_cast %get3A_164 : vector<16xi32> to vector<16xi32>
    %add3A_166 = arith.addi %mul3A_162, %get3A_165 : vector<16xi32>
    %swap3A_167 = arith.constant 1 : i32
    %swap3A_168 = arith.index_cast %swap3A_167 : i32 to index
    %swap3A_169 = arith.constant 0 : index
    %swap3A_170 = tpu.vector_load %arg8[%swap3A_168, %swap3A_169] {strides = array<i32>} : memref<2x128xi32, #tpu.memory_space<vmem>>, vector<1x16xi32>,
    %swap3A_171 = vector.shape_cast %swap3A_170 : vector<1x16xi32> to vector<16xi32>
    %swap3A_172 = vector.shape_cast %add3A_166 : vector<16xi32> to vector<1x16xi32>
    tpu.vector_store %arg8[%swap3A_168, %swap3A_169], %swap3A_172 {strides = array<i32>} : memref<2x128xi32, #tpu.memory_space<vmem>>, vector<1x16xi32>,
    %get3A_173 = arith.constant 144 : index
    %get3A_174 = tpu.vector_load %arg6[%get3A_173] {strides = array<i32>} : memref<256xi32, #tpu.memory_space<vmem>>, vector<16xi32>,
    %get3A_175 = vector.shape_cast %get3A_174 : vector<16xi32> to vector<16xi32>
    %mul3A_176 = arith.constant 2048 : i32
    %mul3A_177 = vector.broadcast %mul3A_176 : i32 to vector<16xi32>
    %mul3A_178 = arith.muli %get3A_175, %mul3A_177 : vector<16xi32>
    %get3A_179 = arith.constant 144 : index
    %get3A_180 = tpu.vector_load %arg7[%get3A_179] {strides = array<i32>} : memref<256xi32, #tpu.memory_space<vmem>>, vector<16xi32>,
    %get3A_181 = vector.shape_cast %get3A_180 : vector<16xi32> to vector<16xi32>
    %add3A_182 = arith.addi %mul3A_178, %get3A_181 : vector<16xi32>
    %swap3A_183 = arith.constant 1 : i32
    %swap3A_184 = arith.index_cast %swap3A_183 : i32 to index
    %swap3A_185 = arith.constant 16 : index
    %swap3A_186 = tpu.vector_load %arg8[%swap3A_184, %swap3A_185] {strides = array<i32>} : memref<2x128xi32, #tpu.memory_space<vmem>>, vector<1x16xi32>,
    %swap3A_187 = vector.shape_cast %swap3A_186 : vector<1x16xi32> to vector<16xi32>
    %swap3A_188 = vector.shape_cast %add3A_182 : vector<16xi32> to vector<1x16xi32>
    tpu.vector_store %arg8[%swap3A_184, %swap3A_185], %swap3A_188 {strides = array<i32>} : memref<2x128xi32, #tpu.memory_space<vmem>>, vector<1x16xi32>,
    %get3A_189 = arith.constant 160 : index
    %get3A_190 = tpu.vector_load %arg6[%get3A_189] {strides = array<i32>} : memref<256xi32, #tpu.memory_space<vmem>>, vector<16xi32>,
    %get3A_191 = vector.shape_cast %get3A_190 : vector<16xi32> to vector<16xi32>
    %mul3A_192 = arith.constant 2048 : i32
    %mul3A_193 = vector.broadcast %mul3A_192 : i32 to vector<16xi32>
    %mul3A_194 = arith.muli %get3A_191, %mul3A_193 : vector<16xi32>
    %get3A_195 = arith.constant 160 : index
    %get3A_196 = tpu.vector_load %arg7[%get3A_195] {strides = array<i32>} : memref<256xi32, #tpu.memory_space<vmem>>, vector<16xi32>,
    %get3A_197 = vector.shape_cast %get3A_196 : vector<16xi32> to vector<16xi32>
    %add3A_198 = arith.addi %mul3A_194, %get3A_197 : vector<16xi32>
    %swap3A_199 = arith.constant 1 : i32
    %swap3A_200 = arith.index_cast %swap3A_199 : i32 to index
    %swap3A_201 = arith.constant 32 : index
    %swap3A_202 = tpu.vector_load %arg8[%swap3A_200, %swap3A_201] {strides = array<i32>} : memref<2x128xi32, #tpu.memory_space<vmem>>, vector<1x16xi32>,
    %swap3A_203 = vector.shape_cast %swap3A_202 : vector<1x16xi32> to vector<16xi32>
    %swap3A_204 = vector.shape_cast %add3A_198 : vector<16xi32> to vector<1x16xi32>
    tpu.vector_store %arg8[%swap3A_200, %swap3A_201], %swap3A_204 {strides = array<i32>} : memref<2x128xi32, #tpu.memory_space<vmem>>, vector<1x16xi32>,
    %get3A_205 = arith.constant 176 : index
    %get3A_206 = tpu.vector_load %arg6[%get3A_205] {strides = array<i32>} : memref<256xi32, #tpu.memory_space<vmem>>, vector<16xi32>,
    %get3A_207 = vector.shape_cast %get3A_206 : vector<16xi32> to vector<16xi32>
    %mul3A_208 = arith.constant 2048 : i32
    %mul3A_209 = vector.broadcast %mul3A_208 : i32 to vector<16xi32>
    %mul3A_210 = arith.muli %get3A_207, %mul3A_209 : vector<16xi32>
    %get3A_211 = arith.constant 176 : index
    %get3A_212 = tpu.vector_load %arg7[%get3A_211] {strides = array<i32>} : memref<256xi32, #tpu.memory_space<vmem>>, vector<16xi32>,
    %get3A_213 = vector.shape_cast %get3A_212 : vector<16xi32> to vector<16xi32>
    %add3A_214 = arith.addi %mul3A_210, %get3A_213 : vector<16xi32>
    %swap3A_215 = arith.constant 1 : i32
    %swap3A_216 = arith.index_cast %swap3A_215 : i32 to index
    %swap3A_217 = arith.constant 48 : index
    %swap3A_218 = tpu.vector_load %arg8[%swap3A_216, %swap3A_217] {strides = array<i32>} : memref<2x128xi32, #tpu.memory_space<vmem>>, vector<1x16xi32>,
    %swap3A_219 = vector.shape_cast %swap3A_218 : vector<1x16xi32> to vector<16xi32>
    %swap3A_220 = vector.shape_cast %add3A_214 : vector<16xi32> to vector<1x16xi32>
    tpu.vector_store %arg8[%swap3A_216, %swap3A_217], %swap3A_220 {strides = array<i32>} : memref<2x128xi32, #tpu.memory_space<vmem>>, vector<1x16xi32>,
    %get3A_221 = arith.constant 192 : index
    %get3A_222 = tpu.vector_load %arg6[%get3A_221] {strides = array<i32>} : memref<256xi32, #tpu.memory_space<vmem>>, vector<16xi32>,
    %get3A_223 = vector.shape_cast %get3A_222 : vector<16xi32> to vector<16xi32>
    %mul3A_224 = arith.constant 2048 : i32
    %mul3A_225 = vector.broadcast %mul3A_224 : i32 to vector<16xi32>
    %mul3A_226 = arith.muli %get3A_223, %mul3A_225 : vector<16xi32>
    %get3A_227 = arith.constant 192 : index
    %get3A_228 = tpu.vector_load %arg7[%get3A_227] {strides = array<i32>} : memref<256xi32, #tpu.memory_space<vmem>>, vector<16xi32>,
    %get3A_229 = vector.shape_cast %get3A_228 : vector<16xi32> to vector<16xi32>
    %add3A_230 = arith.addi %mul3A_226, %get3A_229 : vector<16xi32>
    %swap3A_231 = arith.constant 1 : i32
    %swap3A_232 = arith.index_cast %swap3A_231 : i32 to index
    %swap3A_233 = arith.constant 64 : index
    %swap3A_234 = tpu.vector_load %arg8[%swap3A_232, %swap3A_233] {strides = array<i32>} : memref<2x128xi32, #tpu.memory_space<vmem>>, vector<1x16xi32>,
    %swap3A_235 = vector.shape_cast %swap3A_234 : vector<1x16xi32> to vector<16xi32>
    %swap3A_236 = vector.shape_cast %add3A_230 : vector<16xi32> to vector<1x16xi32>
    tpu.vector_store %arg8[%swap3A_232, %swap3A_233], %swap3A_236 {strides = array<i32>} : memref<2x128xi32, #tpu.memory_space<vmem>>, vector<1x16xi32>,
    %get3A_237 = arith.constant 208 : index
    %get3A_238 = tpu.vector_load %arg6[%get3A_237] {strides = array<i32>} : memref<256xi32, #tpu.memory_space<vmem>>, vector<16xi32>,
    %get3A_239 = vector.shape_cast %get3A_238 : vector<16xi32> to vector<16xi32>
    %mul3A_240 = arith.constant 2048 : i32
    %mul3A_241 = vector.broadcast %mul3A_240 : i32 to vector<16xi32>
    %mul3A_242 = arith.muli %get3A_239, %mul3A_241 : vector<16xi32>
    %get3A_243 = arith.constant 208 : index
    %get3A_244 = tpu.vector_load %arg7[%get3A_243] {strides = array<i32>} : memref<256xi32, #tpu.memory_space<vmem>>, vector<16xi32>,
    %get3A_245 = vector.shape_cast %get3A_244 : vector<16xi32> to vector<16xi32>
    %add3A_246 = arith.addi %mul3A_242, %get3A_245 : vector<16xi32>
    %swap3A_247 = arith.constant 1 : i32
    %swap3A_248 = arith.index_cast %swap3A_247 : i32 to index
    %swap3A_249 = arith.constant 80 : index
    %swap3A_250 = tpu.vector_load %arg8[%swap3A_248, %swap3A_249] {strides = array<i32>} : memref<2x128xi32, #tpu.memory_space<vmem>>, vector<1x16xi32>,
    %swap3A_251 = vector.shape_cast %swap3A_250 : vector<1x16xi32> to vector<16xi32>
    %swap3A_252 = vector.shape_cast %add3A_246 : vector<16xi32> to vector<1x16xi32>
    tpu.vector_store %arg8[%swap3A_248, %swap3A_249], %swap3A_252 {strides = array<i32>} : memref<2x128xi32, #tpu.memory_space<vmem>>, vector<1x16xi32>,
    %get3A_253 = arith.constant 224 : index
    %get3A_254 = tpu.vector_load %arg6[%get3A_253] {strides = array<i32>} : memref<256xi32, #tpu.memory_space<vmem>>, vector<16xi32>,
    %get3A_255 = vector.shape_cast %get3A_254 : vector<16xi32> to vector<16xi32>
    %mul3A_256 = arith.constant 2048 : i32
    %mul3A_257 = vector.broadcast %mul3A_256 : i32 to vector<16xi32>
    %mul3A_258 = arith.muli %get3A_255, %mul3A_257 : vector<16xi32>
    %get3A_259 = arith.constant 224 : index
    %get3A_260 = tpu.vector_load %arg7[%get3A_259] {strides = array<i32>} : memref<256xi32, #tpu.memory_space<vmem>>, vector<16xi32>,
    %get3A_261 = vector.shape_cast %get3A_260 : vector<16xi32> to vector<16xi32>
    %add3A_262 = arith.addi %mul3A_258, %get3A_261 : vector<16xi32>
    %swap3A_263 = arith.constant 1 : i32
    %swap3A_264 = arith.index_cast %swap3A_263 : i32 to index
    %swap3A_265 = arith.constant 96 : index
    %swap3A_266 = tpu.vector_load %arg8[%swap3A_264, %swap3A_265] {strides = array<i32>} : memref<2x128xi32, #tpu.memory_space<vmem>>, vector<1x16xi32>,
    %swap3A_267 = vector.shape_cast %swap3A_266 : vector<1x16xi32> to vector<16xi32>
    %swap3A_268 = vector.shape_cast %add3A_262 : vector<16xi32> to vector<1x16xi32>
    tpu.vector_store %arg8[%swap3A_264, %swap3A_265], %swap3A_268 {strides = array<i32>} : memref<2x128xi32, #tpu.memory_space<vmem>>, vector<1x16xi32>,
    %get3A_269 = arith.constant 240 : index
    %get3A_270 = tpu.vector_load %arg6[%get3A_269] {strides = array<i32>} : memref<256xi32, #tpu.memory_space<vmem>>, vector<16xi32>,
    %get3A_271 = vector.shape_cast %get3A_270 : vector<16xi32> to vector<16xi32>
    %mul3A_272 = arith.constant 2048 : i32
    %mul3A_273 = vector.broadcast %mul3A_272 : i32 to vector<16xi32>
    %mul3A_274 = arith.muli %get3A_271, %mul3A_273 : vector<16xi32>
    %get3A_275 = arith.constant 240 : index
    %get3A_276 = tpu.vector_load %arg7[%get3A_275] {strides = array<i32>} : memref<256xi32, #tpu.memory_space<vmem>>, vector<16xi32>,
    %get3A_277 = vector.shape_cast %get3A_276 : vector<16xi32> to vector<16xi32>
    %add3A_278 = arith.addi %mul3A_274, %get3A_277 : vector<16xi32>
    %swap3A_279 = arith.constant 1 : i32
    %swap3A_280 = arith.index_cast %swap3A_279 : i32 to index
    %swap3A_281 = arith.constant 112 : index
    %swap3A_282 = tpu.vector_load %arg8[%swap3A_280, %swap3A_281] {strides = array<i32>} : memref<2x128xi32, #tpu.memory_space<vmem>>, vector<1x16xi32>,
    %swap3A_283 = vector.shape_cast %swap3A_282 : vector<1x16xi32> to vector<16xi32>
    %swap3A_284 = vector.shape_cast %add3A_278 : vector<16xi32> to vector<1x16xi32>
    tpu.vector_store %arg8[%swap3A_280, %swap3A_281], %swap3A_284 {strides = array<i32>} : memref<2x128xi32, #tpu.memory_space<vmem>>, vector<1x16xi32>,
    %dma_start3A_285 = arith.constant 1 : i32
    %dma_start3A_286 = arith.constant 1 : i32
    %dma_start3A_287 = arith.constant 0 : i32
    %dma_start3A_288 = tpu.memref_slice %arg9[%dma_start3A_286, %dma_start3A_287] : memref<2x128xi32, #tpu.memory_space<vmem>> -> memref<1x128xi32, #tpu.memory_space<vmem>>
    %dma_start3A_289 = tpu.memref_squeeze %dma_start3A_288 : memref<1x128xi32, #tpu.memory_space<vmem>> -> memref<128xi32, #tpu.memory_space<vmem>>
    %dma_start3A_290 = arith.constant 0 : i32
    %dma_start3A_291 = tpu.memref_slice %arg8[%dma_start3A_285, %dma_start3A_290] : memref<2x128xi32, #tpu.memory_space<vmem>> -> memref<1x128xi32, #tpu.memory_space<vmem>>
    %dma_start3A_292 = tpu.memref_squeeze %dma_start3A_291 : memref<1x128xi32, #tpu.memory_space<vmem>> -> memref<128xi32, #tpu.memory_space<vmem>>
    %dma_start3A_293 = arith.constant 0 : i32
    %dma_start3A_294 = tpu.memref_slice %arg3[%dma_start3A_293] : memref<16384xi32, #tpu.memory_space<hbm>> -> memref<16384xi32, #tpu.memory_space<hbm>>
    tpu.enqueue_indirect_dma source(%dma_start3A_294 : memref<16384xi32, #tpu.memory_space<hbm>>) target(%dma_start3A_289 : memref<128xi32, #tpu.memory_space<vmem>>) offsets(%dma_start3A_292 : memref<128xi32, #tpu.memory_space<vmem>>) semaphore(%arg12 : memref<!tpu.dma_semaphore, #tpu.memory_space<semaphore_mem>>)
    %iota3A = tpu.iota {dimensions = array<i32: 0>} : vector<16xi32>
    %dma_wait3A_295 = arith.constant 0 : i32
    %dma_wait3A_296 = arith.constant 0 : i32
    %dma_wait3A_297 = arith.constant 0 : i32
    %dma_wait3A_298 = tpu.memref_slice %arg9[%dma_wait3A_296, %dma_wait3A_297] : memref<2x128xi32, #tpu.memory_space<vmem>> -> memref<1x128xi32, #tpu.memory_space<vmem>>
    %dma_wait3A_299 = tpu.memref_squeeze %dma_wait3A_298 : memref<1x128xi32, #tpu.memory_space<vmem>> -> memref<128xi32, #tpu.memory_space<vmem>>
    %dma_wait3A_300 = arith.constant 0 : i32
    %dma_wait3A_301 = tpu.memref_slice %arg8[%dma_wait3A_295, %dma_wait3A_300] : memref<2x128xi32, #tpu.memory_space<vmem>> -> memref<1x128xi32, #tpu.memory_space<vmem>>
    %dma_wait3A_302 = tpu.memref_squeeze %dma_wait3A_301 : memref<1x128xi32, #tpu.memory_space<vmem>> -> memref<128xi32, #tpu.memory_space<vmem>>
    %dma_wait3A_303 = arith.constant 0 : i32
    %dma_wait3A_304 = tpu.memref_slice %arg3[%dma_wait3A_303] : memref<16384xi32, #tpu.memory_space<hbm>> -> memref<16384xi32, #tpu.memory_space<hbm>>
    tpu.wait_indirect_dma semaphore(%arg11 : memref<!tpu.dma_semaphore, #tpu.memory_space<semaphore_mem>>) src(%dma_wait3A_304 : memref<16384xi32, #tpu.memory_space<hbm>>) dst(%dma_wait3A_299 : memref<128xi32, #tpu.memory_space<vmem>>)
    %get3A_305 = arith.constant 0 : i32
    %get3A_306 = arith.index_cast %get3A_305 : i32 to index
    %get3A_307 = arith.constant 0 : index
    %get3A_308 = tpu.vector_load %arg9[%get3A_306, %get3A_307] {strides = array<i32>} : memref<2x128xi32, #tpu.memory_space<vmem>>, vector<1x16xi32>,
    %get3A_309 = vector.shape_cast %get3A_308 : vector<1x16xi32> to vector<16xi32>
    %add3A_310 = arith.constant 0 : i32
    %add3A_311 = arith.addi %mul3A_2, %add3A_310 : i32
    %add3A_312 = vector.broadcast %add3A_311 : i32 to vector<16xi32>
    %add3A_313 = arith.addi %add3A_312, %iota3A : vector<16xi32>
    %and3A = arith.constant 1023 : i32
    %and3A_314 = vector.broadcast %and3A : i32 to vector<16xi32>
    %and3A_315 = arith.andi %add3A_313, %and3A_314 : vector<16xi32>
    %add3A_316 = arith.constant 8192 : i32
    %add3A_317 = vector.broadcast %add3A_316 : i32 to vector<16xi32>
    %add3A_318 = arith.addi %add3A_317, %and3A_315 : vector<16xi32>
    %lt3A = arith.constant 0 : i32
    %lt3A_319 = vector.broadcast %lt3A : i32 to vector<16xi32>
    %lt3A_320 = arith.cmpi slt, %get3A_309, %lt3A_319 : vector<16xi32>
    %select_n3A = arith.select %lt3A_320, %add3A_318, %get3A_309 : vector<16xi1>, vector<16xi32>
    %swap3A_321 = arith.constant 0 : i32
    %swap3A_322 = arith.index_cast %swap3A_321 : i32 to index
    %swap3A_323 = arith.constant 0 : index
    %swap3A_324 = tpu.vector_load %arg9[%swap3A_322, %swap3A_323] {strides = array<i32>} : memref<2x128xi32, #tpu.memory_space<vmem>>, vector<1x16xi32>,
    %swap3A_325 = vector.shape_cast %swap3A_324 : vector<1x16xi32> to vector<16xi32>
    %swap3A_326 = vector.shape_cast %select_n3A : vector<16xi32> to vector<1x16xi32>
    tpu.vector_store %arg9[%swap3A_322, %swap3A_323], %swap3A_326 {strides = array<i32>} : memref<2x128xi32, #tpu.memory_space<vmem>>, vector<1x16xi32>,
    %get3A_327 = arith.constant 0 : i32
    %get3A_328 = arith.index_cast %get3A_327 : i32 to index
    %get3A_329 = arith.constant 16 : index
    %get3A_330 = tpu.vector_load %arg9[%get3A_328, %get3A_329] {strides = array<i32>} : memref<2x128xi32, #tpu.memory_space<vmem>>, vector<1x16xi32>,
    %get3A_331 = vector.shape_cast %get3A_330 : vector<1x16xi32> to vector<16xi32>
    %add3A_332 = arith.constant 16 : i32
    %add3A_333 = arith.addi %mul3A_2, %add3A_332 : i32
    %add3A_334 = vector.broadcast %add3A_333 : i32 to vector<16xi32>
    %add3A_335 = arith.addi %add3A_334, %iota3A : vector<16xi32>
    %and3A_336 = arith.constant 1023 : i32
    %and3A_337 = vector.broadcast %and3A_336 : i32 to vector<16xi32>
    %and3A_338 = arith.andi %add3A_335, %and3A_337 : vector<16xi32>
    %add3A_339 = arith.constant 8192 : i32
    %add3A_340 = vector.broadcast %add3A_339 : i32 to vector<16xi32>
    %add3A_341 = arith.addi %add3A_340, %and3A_338 : vector<16xi32>
    %lt3A_342 = arith.constant 0 : i32
    %lt3A_343 = vector.broadcast %lt3A_342 : i32 to vector<16xi32>
    %lt3A_344 = arith.cmpi slt, %get3A_331, %lt3A_343 : vector<16xi32>
    %select_n3A_345 = arith.select %lt3A_344, %add3A_341, %get3A_331 : vector<16xi1>, vector<16xi32>
    %swap3A_346 = arith.constant 0 : i32
    %swap3A_347 = arith.index_cast %swap3A_346 : i32 to index
    %swap3A_348 = arith.constant 16 : index
    %swap3A_349 = tpu.vector_load %arg9[%swap3A_347, %swap3A_348] {strides = array<i32>} : memref<2x128xi32, #tpu.memory_space<vmem>>, vector<1x16xi32>,
    %swap3A_350 = vector.shape_cast %swap3A_349 : vector<1x16xi32> to vector<16xi32>
    %swap3A_351 = vector.shape_cast %select_n3A_345 : vector<16xi32> to vector<1x16xi32>
    tpu.vector_store %arg9[%swap3A_347, %swap3A_348], %swap3A_351 {strides = array<i32>} : memref<2x128xi32, #tpu.memory_space<vmem>>, vector<1x16xi32>,
    %get3A_352 = arith.constant 0 : i32
    %get3A_353 = arith.index_cast %get3A_352 : i32 to index
    %get3A_354 = arith.constant 32 : index
    %get3A_355 = tpu.vector_load %arg9[%get3A_353, %get3A_354] {strides = array<i32>} : memref<2x128xi32, #tpu.memory_space<vmem>>, vector<1x16xi32>,
    %get3A_356 = vector.shape_cast %get3A_355 : vector<1x16xi32> to vector<16xi32>
    %add3A_357 = arith.constant 32 : i32
    %add3A_358 = arith.addi %mul3A_2, %add3A_357 : i32
    %add3A_359 = vector.broadcast %add3A_358 : i32 to vector<16xi32>
    %add3A_360 = arith.addi %add3A_359, %iota3A : vector<16xi32>
    %and3A_361 = arith.constant 1023 : i32
    %and3A_362 = vector.broadcast %and3A_361 : i32 to vector<16xi32>
    %and3A_363 = arith.andi %add3A_360, %and3A_362 : vector<16xi32>
    %add3A_364 = arith.constant 8192 : i32
    %add3A_365 = vector.broadcast %add3A_364 : i32 to vector<16xi32>
    %add3A_366 = arith.addi %add3A_365, %and3A_363 : vector<16xi32>
    %lt3A_367 = arith.constant 0 : i32
    %lt3A_368 = vector.broadcast %lt3A_367 : i32 to vector<16xi32>
    %lt3A_369 = arith.cmpi slt, %get3A_356, %lt3A_368 : vector<16xi32>
    %select_n3A_370 = arith.select %lt3A_369, %add3A_366, %get3A_356 : vector<16xi1>, vector<16xi32>
    %swap3A_371 = arith.constant 0 : i32
    %swap3A_372 = arith.index_cast %swap3A_371 : i32 to index
    %swap3A_373 = arith.constant 32 : index
    %swap3A_374 = tpu.vector_load %arg9[%swap3A_372, %swap3A_373] {strides = array<i32>} : memref<2x128xi32, #tpu.memory_space<vmem>>, vector<1x16xi32>,
    %swap3A_375 = vector.shape_cast %swap3A_374 : vector<1x16xi32> to vector<16xi32>
    %swap3A_376 = vector.shape_cast %select_n3A_370 : vector<16xi32> to vector<1x16xi32>
    tpu.vector_store %arg9[%swap3A_372, %swap3A_373], %swap3A_376 {strides = array<i32>} : memref<2x128xi32, #tpu.memory_space<vmem>>, vector<1x16xi32>,
    %get3A_377 = arith.constant 0 : i32
    %get3A_378 = arith.index_cast %get3A_377 : i32 to index
    %get3A_379 = arith.constant 48 : index
    %get3A_380 = tpu.vector_load %arg9[%get3A_378, %get3A_379] {strides = array<i32>} : memref<2x128xi32, #tpu.memory_space<vmem>>, vector<1x16xi32>,
    %get3A_381 = vector.shape_cast %get3A_380 : vector<1x16xi32> to vector<16xi32>
    %add3A_382 = arith.constant 48 : i32
    %add3A_383 = arith.addi %mul3A_2, %add3A_382 : i32
    %add3A_384 = vector.broadcast %add3A_383 : i32 to vector<16xi32>
    %add3A_385 = arith.addi %add3A_384, %iota3A : vector<16xi32>
    %and3A_386 = arith.constant 1023 : i32
    %and3A_387 = vector.broadcast %and3A_386 : i32 to vector<16xi32>
    %and3A_388 = arith.andi %add3A_385, %and3A_387 : vector<16xi32>
    %add3A_389 = arith.constant 8192 : i32
    %add3A_390 = vector.broadcast %add3A_389 : i32 to vector<16xi32>
    %add3A_391 = arith.addi %add3A_390, %and3A_388 : vector<16xi32>
    %lt3A_392 = arith.constant 0 : i32
    %lt3A_393 = vector.broadcast %lt3A_392 : i32 to vector<16xi32>
    %lt3A_394 = arith.cmpi slt, %get3A_381, %lt3A_393 : vector<16xi32>
    %select_n3A_395 = arith.select %lt3A_394, %add3A_391, %get3A_381 : vector<16xi1>, vector<16xi32>
    %swap3A_396 = arith.constant 0 : i32
    %swap3A_397 = arith.index_cast %swap3A_396 : i32 to index
    %swap3A_398 = arith.constant 48 : index
    %swap3A_399 = tpu.vector_load %arg9[%swap3A_397, %swap3A_398] {strides = array<i32>} : memref<2x128xi32, #tpu.memory_space<vmem>>, vector<1x16xi32>,
    %swap3A_400 = vector.shape_cast %swap3A_399 : vector<1x16xi32> to vector<16xi32>
    %swap3A_401 = vector.shape_cast %select_n3A_395 : vector<16xi32> to vector<1x16xi32>
    tpu.vector_store %arg9[%swap3A_397, %swap3A_398], %swap3A_401 {strides = array<i32>} : memref<2x128xi32, #tpu.memory_space<vmem>>, vector<1x16xi32>,
    %get3A_402 = arith.constant 0 : i32
    %get3A_403 = arith.index_cast %get3A_402 : i32 to index
    %get3A_404 = arith.constant 64 : index
    %get3A_405 = tpu.vector_load %arg9[%get3A_403, %get3A_404] {strides = array<i32>} : memref<2x128xi32, #tpu.memory_space<vmem>>, vector<1x16xi32>,
    %get3A_406 = vector.shape_cast %get3A_405 : vector<1x16xi32> to vector<16xi32>
    %add3A_407 = arith.constant 64 : i32
    %add3A_408 = arith.addi %mul3A_2, %add3A_407 : i32
    %add3A_409 = vector.broadcast %add3A_408 : i32 to vector<16xi32>
    %add3A_410 = arith.addi %add3A_409, %iota3A : vector<16xi32>
    %and3A_411 = arith.constant 1023 : i32
    %and3A_412 = vector.broadcast %and3A_411 : i32 to vector<16xi32>
    %and3A_413 = arith.andi %add3A_410, %and3A_412 : vector<16xi32>
    %add3A_414 = arith.constant 8192 : i32
    %add3A_415 = vector.broadcast %add3A_414 : i32 to vector<16xi32>
    %add3A_416 = arith.addi %add3A_415, %and3A_413 : vector<16xi32>
    %lt3A_417 = arith.constant 0 : i32
    %lt3A_418 = vector.broadcast %lt3A_417 : i32 to vector<16xi32>
    %lt3A_419 = arith.cmpi slt, %get3A_406, %lt3A_418 : vector<16xi32>
    %select_n3A_420 = arith.select %lt3A_419, %add3A_416, %get3A_406 : vector<16xi1>, vector<16xi32>
    %swap3A_421 = arith.constant 0 : i32
    %swap3A_422 = arith.index_cast %swap3A_421 : i32 to index
    %swap3A_423 = arith.constant 64 : index
    %swap3A_424 = tpu.vector_load %arg9[%swap3A_422, %swap3A_423] {strides = array<i32>} : memref<2x128xi32, #tpu.memory_space<vmem>>, vector<1x16xi32>,
    %swap3A_425 = vector.shape_cast %swap3A_424 : vector<1x16xi32> to vector<16xi32>
    %swap3A_426 = vector.shape_cast %select_n3A_420 : vector<16xi32> to vector<1x16xi32>
    tpu.vector_store %arg9[%swap3A_422, %swap3A_423], %swap3A_426 {strides = array<i32>} : memref<2x128xi32, #tpu.memory_space<vmem>>, vector<1x16xi32>,
    %get3A_427 = arith.constant 0 : i32
    %get3A_428 = arith.index_cast %get3A_427 : i32 to index
    %get3A_429 = arith.constant 80 : index
    %get3A_430 = tpu.vector_load %arg9[%get3A_428, %get3A_429] {strides = array<i32>} : memref<2x128xi32, #tpu.memory_space<vmem>>, vector<1x16xi32>,
    %get3A_431 = vector.shape_cast %get3A_430 : vector<1x16xi32> to vector<16xi32>
    %add3A_432 = arith.constant 80 : i32
    %add3A_433 = arith.addi %mul3A_2, %add3A_432 : i32
    %add3A_434 = vector.broadcast %add3A_433 : i32 to vector<16xi32>
    %add3A_435 = arith.addi %add3A_434, %iota3A : vector<16xi32>
    %and3A_436 = arith.constant 1023 : i32
    %and3A_437 = vector.broadcast %and3A_436 : i32 to vector<16xi32>
    %and3A_438 = arith.andi %add3A_435, %and3A_437 : vector<16xi32>
    %add3A_439 = arith.constant 8192 : i32
    %add3A_440 = vector.broadcast %add3A_439 : i32 to vector<16xi32>
    %add3A_441 = arith.addi %add3A_440, %and3A_438 : vector<16xi32>
    %lt3A_442 = arith.constant 0 : i32
    %lt3A_443 = vector.broadcast %lt3A_442 : i32 to vector<16xi32>
    %lt3A_444 = arith.cmpi slt, %get3A_431, %lt3A_443 : vector<16xi32>
    %select_n3A_445 = arith.select %lt3A_444, %add3A_441, %get3A_431 : vector<16xi1>, vector<16xi32>
    %swap3A_446 = arith.constant 0 : i32
    %swap3A_447 = arith.index_cast %swap3A_446 : i32 to index
    %swap3A_448 = arith.constant 80 : index
    %swap3A_449 = tpu.vector_load %arg9[%swap3A_447, %swap3A_448] {strides = array<i32>} : memref<2x128xi32, #tpu.memory_space<vmem>>, vector<1x16xi32>,
    %swap3A_450 = vector.shape_cast %swap3A_449 : vector<1x16xi32> to vector<16xi32>
    %swap3A_451 = vector.shape_cast %select_n3A_445 : vector<16xi32> to vector<1x16xi32>
    tpu.vector_store %arg9[%swap3A_447, %swap3A_448], %swap3A_451 {strides = array<i32>} : memref<2x128xi32, #tpu.memory_space<vmem>>, vector<1x16xi32>,
    %get3A_452 = arith.constant 0 : i32
    %get3A_453 = arith.index_cast %get3A_452 : i32 to index
    %get3A_454 = arith.constant 96 : index
    %get3A_455 = tpu.vector_load %arg9[%get3A_453, %get3A_454] {strides = array<i32>} : memref<2x128xi32, #tpu.memory_space<vmem>>, vector<1x16xi32>,
    %get3A_456 = vector.shape_cast %get3A_455 : vector<1x16xi32> to vector<16xi32>
    %add3A_457 = arith.constant 96 : i32
    %add3A_458 = arith.addi %mul3A_2, %add3A_457 : i32
    %add3A_459 = vector.broadcast %add3A_458 : i32 to vector<16xi32>
    %add3A_460 = arith.addi %add3A_459, %iota3A : vector<16xi32>
    %and3A_461 = arith.constant 1023 : i32
    %and3A_462 = vector.broadcast %and3A_461 : i32 to vector<16xi32>
    %and3A_463 = arith.andi %add3A_460, %and3A_462 : vector<16xi32>
    %add3A_464 = arith.constant 8192 : i32
    %add3A_465 = vector.broadcast %add3A_464 : i32 to vector<16xi32>
    %add3A_466 = arith.addi %add3A_465, %and3A_463 : vector<16xi32>
    %lt3A_467 = arith.constant 0 : i32
    %lt3A_468 = vector.broadcast %lt3A_467 : i32 to vector<16xi32>
    %lt3A_469 = arith.cmpi slt, %get3A_456, %lt3A_468 : vector<16xi32>
    %select_n3A_470 = arith.select %lt3A_469, %add3A_466, %get3A_456 : vector<16xi1>, vector<16xi32>
    %swap3A_471 = arith.constant 0 : i32
    %swap3A_472 = arith.index_cast %swap3A_471 : i32 to index
    %swap3A_473 = arith.constant 96 : index
    %swap3A_474 = tpu.vector_load %arg9[%swap3A_472, %swap3A_473] {strides = array<i32>} : memref<2x128xi32, #tpu.memory_space<vmem>>, vector<1x16xi32>,
    %swap3A_475 = vector.shape_cast %swap3A_474 : vector<1x16xi32> to vector<16xi32>
    %swap3A_476 = vector.shape_cast %select_n3A_470 : vector<16xi32> to vector<1x16xi32>
    tpu.vector_store %arg9[%swap3A_472, %swap3A_473], %swap3A_476 {strides = array<i32>} : memref<2x128xi32, #tpu.memory_space<vmem>>, vector<1x16xi32>,
    %get3A_477 = arith.constant 0 : i32
    %get3A_478 = arith.index_cast %get3A_477 : i32 to index
    %get3A_479 = arith.constant 112 : index
    %get3A_480 = tpu.vector_load %arg9[%get3A_478, %get3A_479] {strides = array<i32>} : memref<2x128xi32, #tpu.memory_space<vmem>>, vector<1x16xi32>,
    %get3A_481 = vector.shape_cast %get3A_480 : vector<1x16xi32> to vector<16xi32>
    %add3A_482 = arith.constant 112 : i32
    %add3A_483 = arith.addi %mul3A_2, %add3A_482 : i32
    %add3A_484 = vector.broadcast %add3A_483 : i32 to vector<16xi32>
    %add3A_485 = arith.addi %add3A_484, %iota3A : vector<16xi32>
    %and3A_486 = arith.constant 1023 : i32
    %and3A_487 = vector.broadcast %and3A_486 : i32 to vector<16xi32>
    %and3A_488 = arith.andi %add3A_485, %and3A_487 : vector<16xi32>
    %add3A_489 = arith.constant 8192 : i32
    %add3A_490 = vector.broadcast %add3A_489 : i32 to vector<16xi32>
    %add3A_491 = arith.addi %add3A_490, %and3A_488 : vector<16xi32>
    %lt3A_492 = arith.constant 0 : i32
    %lt3A_493 = vector.broadcast %lt3A_492 : i32 to vector<16xi32>
    %lt3A_494 = arith.cmpi slt, %get3A_481, %lt3A_493 : vector<16xi32>
    %select_n3A_495 = arith.select %lt3A_494, %add3A_491, %get3A_481 : vector<16xi1>, vector<16xi32>
    %swap3A_496 = arith.constant 0 : i32
    %swap3A_497 = arith.index_cast %swap3A_496 : i32 to index
    %swap3A_498 = arith.constant 112 : index
    %swap3A_499 = tpu.vector_load %arg9[%swap3A_497, %swap3A_498] {strides = array<i32>} : memref<2x128xi32, #tpu.memory_space<vmem>>, vector<1x16xi32>,
    %swap3A_500 = vector.shape_cast %swap3A_499 : vector<1x16xi32> to vector<16xi32>
    %swap3A_501 = vector.shape_cast %select_n3A_495 : vector<16xi32> to vector<1x16xi32>
    tpu.vector_store %arg9[%swap3A_497, %swap3A_498], %swap3A_501 {strides = array<i32>} : memref<2x128xi32, #tpu.memory_space<vmem>>, vector<1x16xi32>,
    %dma_start3A_502 = arith.constant 0 : i32
    %dma_start3A_503 = arith.constant 0 : i32
    %dma_start3A_504 = arith.constant 0 : i32
    %dma_start3A_505 = arith.constant 0 : i32
    %dma_start3A_506 = tpu.memref_slice %arg10[%dma_start3A_503, %dma_start3A_504, %dma_start3A_505] : memref<6x32x512xf32, #tpu.memory_space<vmem>> -> memref<1x32x512xf32, #tpu.memory_space<vmem>>
    %dma_start3A_507 = tpu.memref_squeeze %dma_start3A_506 : memref<1x32x512xf32, #tpu.memory_space<vmem>> -> memref<32x512xf32, #tpu.memory_space<vmem>>
    %dma_start3A_508 = arith.constant 0 : i32
    %dma_start3A_509 = tpu.memref_slice %arg9[%dma_start3A_502, %dma_start3A_508] : memref<2x128xi32, #tpu.memory_space<vmem>> -> memref<1x32xi32, #tpu.memory_space<vmem>>
    %dma_start3A_510 = tpu.memref_squeeze %dma_start3A_509 : memref<1x32xi32, #tpu.memory_space<vmem>> -> memref<32xi32, #tpu.memory_space<vmem>>
    %dma_start3A_511 = arith.constant 0 : i32
    %dma_start3A_512 = arith.constant 0 : i32
    %dma_start3A_513 = tpu.memref_slice %arg2[%dma_start3A_511, %dma_start3A_512] : memref<9216x512xf32, #tpu.memory_space<hbm>> -> memref<9216x512xf32, #tpu.memory_space<hbm>>
    tpu.enqueue_indirect_dma source(%dma_start3A_513 : memref<9216x512xf32, #tpu.memory_space<hbm>>) target(%dma_start3A_507 : memref<32x512xf32, #tpu.memory_space<vmem>>) offsets(%dma_start3A_510 : memref<32xi32, #tpu.memory_space<vmem>>) semaphore(%arg11 : memref<!tpu.dma_semaphore, #tpu.memory_space<semaphore_mem>>)
    %dma_start3A_514 = arith.constant 0 : i32
    %dma_start3A_515 = arith.constant 1 : i32
    %dma_start3A_516 = arith.constant 0 : i32
    %dma_start3A_517 = arith.constant 0 : i32
    %dma_start3A_518 = tpu.memref_slice %arg10[%dma_start3A_515, %dma_start3A_516, %dma_start3A_517] : memref<6x32x512xf32, #tpu.memory_space<vmem>> -> memref<1x32x512xf32, #tpu.memory_space<vmem>>
    %dma_start3A_519 = tpu.memref_squeeze %dma_start3A_518 : memref<1x32x512xf32, #tpu.memory_space<vmem>> -> memref<32x512xf32, #tpu.memory_space<vmem>>
    %dma_start3A_520 = arith.constant 32 : i32
    %dma_start3A_521 = tpu.memref_slice %arg9[%dma_start3A_514, %dma_start3A_520] : memref<2x128xi32, #tpu.memory_space<vmem>> -> memref<1x32xi32, #tpu.memory_space<vmem>>
    %dma_start3A_522 = tpu.memref_squeeze %dma_start3A_521 : memref<1x32xi32, #tpu.memory_space<vmem>> -> memref<32xi32, #tpu.memory_space<vmem>>
    %dma_start3A_523 = arith.constant 0 : i32
    %dma_start3A_524 = arith.constant 0 : i32
    %dma_start3A_525 = tpu.memref_slice %arg2[%dma_start3A_523, %dma_start3A_524] : memref<9216x512xf32, #tpu.memory_space<hbm>> -> memref<9216x512xf32, #tpu.memory_space<hbm>>
    tpu.enqueue_indirect_dma source(%dma_start3A_525 : memref<9216x512xf32, #tpu.memory_space<hbm>>) target(%dma_start3A_519 : memref<32x512xf32, #tpu.memory_space<vmem>>) offsets(%dma_start3A_522 : memref<32xi32, #tpu.memory_space<vmem>>) semaphore(%arg12 : memref<!tpu.dma_semaphore, #tpu.memory_space<semaphore_mem>>)
    %dma_start3A_526 = arith.constant 0 : i32
    %dma_start3A_527 = arith.constant 2 : i32
    %dma_start3A_528 = arith.constant 0 : i32
    %dma_start3A_529 = arith.constant 0 : i32
    %dma_start3A_530 = tpu.memref_slice %arg10[%dma_start3A_527, %dma_start3A_528, %dma_start3A_529] : memref<6x32x512xf32, #tpu.memory_space<vmem>> -> memref<1x32x512xf32, #tpu.memory_space<vmem>>
    %dma_start3A_531 = tpu.memref_squeeze %dma_start3A_530 : memref<1x32x512xf32, #tpu.memory_space<vmem>> -> memref<32x512xf32, #tpu.memory_space<vmem>>
    %dma_start3A_532 = arith.constant 64 : i32
    %dma_start3A_533 = tpu.memref_slice %arg9[%dma_start3A_526, %dma_start3A_532] : memref<2x128xi32, #tpu.memory_space<vmem>> -> memref<1x32xi32, #tpu.memory_space<vmem>>
    %dma_start3A_534 = tpu.memref_squeeze %dma_start3A_533 : memref<1x32xi32, #tpu.memory_space<vmem>> -> memref<32xi32, #tpu.memory_space<vmem>>
    %dma_start3A_535 = arith.constant 0 : i32
    %dma_start3A_536 = arith.constant 0 : i32
    %dma_start3A_537 = tpu.memref_slice %arg2[%dma_start3A_535, %dma_start3A_536] : memref<9216x512xf32, #tpu.memory_space<hbm>> -> memref<9216x512xf32, #tpu.memory_space<hbm>>
    tpu.enqueue_indirect_dma source(%dma_start3A_537 : memref<9216x512xf32, #tpu.memory_space<hbm>>) target(%dma_start3A_531 : memref<32x512xf32, #tpu.memory_space<vmem>>) offsets(%dma_start3A_534 : memref<32xi32, #tpu.memory_space<vmem>>) semaphore(%arg13 : memref<!tpu.dma_semaphore, #tpu.memory_space<semaphore_mem>>)
    %dma_start3A_538 = arith.constant 0 : i32
    %dma_start3A_539 = arith.constant 3 : i32
    %dma_start3A_540 = arith.constant 0 : i32
    %dma_start3A_541 = arith.constant 0 : i32
    %dma_start3A_542 = tpu.memref_slice %arg10[%dma_start3A_539, %dma_start3A_540, %dma_start3A_541] : memref<6x32x512xf32, #tpu.memory_space<vmem>> -> memref<1x32x512xf32, #tpu.memory_space<vmem>>
    %dma_start3A_543 = tpu.memref_squeeze %dma_start3A_542 : memref<1x32x512xf32, #tpu.memory_space<vmem>> -> memref<32x512xf32, #tpu.memory_space<vmem>>
    %dma_start3A_544 = arith.constant 96 : i32
    %dma_start3A_545 = tpu.memref_slice %arg9[%dma_start3A_538, %dma_start3A_544] : memref<2x128xi32, #tpu.memory_space<vmem>> -> memref<1x32xi32, #tpu.memory_space<vmem>>
    %dma_start3A_546 = tpu.memref_squeeze %dma_start3A_545 : memref<1x32xi32, #tpu.memory_space<vmem>> -> memref<32xi32, #tpu.memory_space<vmem>>
    %dma_start3A_547 = arith.constant 0 : i32
    %dma_start3A_548 = arith.constant 0 : i32
    %dma_start3A_549 = tpu.memref_slice %arg2[%dma_start3A_547, %dma_start3A_548] : memref<9216x512xf32, #tpu.memory_space<hbm>> -> memref<9216x512xf32, #tpu.memory_space<hbm>>
    tpu.enqueue_indirect_dma source(%dma_start3A_549 : memref<9216x512xf32, #tpu.memory_space<hbm>>) target(%dma_start3A_543 : memref<32x512xf32, #tpu.memory_space<vmem>>) offsets(%dma_start3A_546 : memref<32xi32, #tpu.memory_space<vmem>>) semaphore(%arg14 : memref<!tpu.dma_semaphore, #tpu.memory_space<semaphore_mem>>)
    %dma_wait3A_550 = arith.constant 1 : i32
    %dma_wait3A_551 = arith.constant 1 : i32
    %dma_wait3A_552 = arith.constant 0 : i32
    %dma_wait3A_553 = tpu.memref_slice %arg9[%dma_wait3A_551, %dma_wait3A_552] : memref<2x128xi32, #tpu.memory_space<vmem>> -> memref<1x128xi32, #tpu.memory_space<vmem>>
    %dma_wait3A_554 = tpu.memref_squeeze %dma_wait3A_553 : memref<1x128xi32, #tpu.memory_space<vmem>> -> memref<128xi32, #tpu.memory_space<vmem>>
    %dma_wait3A_555 = arith.constant 0 : i32
    %dma_wait3A_556 = tpu.memref_slice %arg8[%dma_wait3A_550, %dma_wait3A_555] : memref<2x128xi32, #tpu.memory_space<vmem>> -> memref<1x128xi32, #tpu.memory_space<vmem>>
    %dma_wait3A_557 = tpu.memref_squeeze %dma_wait3A_556 : memref<1x128xi32, #tpu.memory_space<vmem>> -> memref<128xi32, #tpu.memory_space<vmem>>
    %dma_wait3A_558 = arith.constant 0 : i32
    %dma_wait3A_559 = tpu.memref_slice %arg3[%dma_wait3A_558] : memref<16384xi32, #tpu.memory_space<hbm>> -> memref<16384xi32, #tpu.memory_space<hbm>>
    tpu.wait_indirect_dma semaphore(%arg12 : memref<!tpu.dma_semaphore, #tpu.memory_space<semaphore_mem>>) src(%dma_wait3A_559 : memref<16384xi32, #tpu.memory_space<hbm>>) dst(%dma_wait3A_554 : memref<128xi32, #tpu.memory_space<vmem>>)
    %get3A_560 = arith.constant 1 : i32
    %get3A_561 = arith.index_cast %get3A_560 : i32 to index
    %get3A_562 = arith.constant 0 : index
    %get3A_563 = tpu.vector_load %arg9[%get3A_561, %get3A_562] {strides = array<i32>} : memref<2x128xi32, #tpu.memory_space<vmem>>, vector<1x16xi32>,
    %get3A_564 = vector.shape_cast %get3A_563 : vector<1x16xi32> to vector<16xi32>
    %add3A_565 = arith.constant 128 : i32
    %add3A_566 = arith.addi %mul3A_2, %add3A_565 : i32
    %add3A_567 = vector.broadcast %add3A_566 : i32 to vector<16xi32>
    %add3A_568 = arith.addi %add3A_567, %iota3A : vector<16xi32>
    %and3A_569 = arith.constant 1023 : i32
    %and3A_570 = vector.broadcast %and3A_569 : i32 to vector<16xi32>
    %and3A_571 = arith.andi %add3A_568, %and3A_570 : vector<16xi32>
    %add3A_572 = arith.constant 8192 : i32
    %add3A_573 = vector.broadcast %add3A_572 : i32 to vector<16xi32>
    %add3A_574 = arith.addi %add3A_573, %and3A_571 : vector<16xi32>
    %lt3A_575 = arith.constant 0 : i32
    %lt3A_576 = vector.broadcast %lt3A_575 : i32 to vector<16xi32>
    %lt3A_577 = arith.cmpi slt, %get3A_564, %lt3A_576 : vector<16xi32>
    %select_n3A_578 = arith.select %lt3A_577, %add3A_574, %get3A_564 : vector<16xi1>, vector<16xi32>
    %swap3A_579 = arith.constant 1 : i32
    %swap3A_580 = arith.index_cast %swap3A_579 : i32 to index
    %swap3A_581 = arith.constant 0 : index
    %swap3A_582 = tpu.vector_load %arg9[%swap3A_580, %swap3A_581] {strides = array<i32>} : memref<2x128xi32, #tpu.memory_space<vmem>>, vector<1x16xi32>,
    %swap3A_583 = vector.shape_cast %swap3A_582 : vector<1x16xi32> to vector<16xi32>
    %swap3A_584 = vector.shape_cast %select_n3A_578 : vector<16xi32> to vector<1x16xi32>
    tpu.vector_store %arg9[%swap3A_580, %swap3A_581], %swap3A_584 {strides = array<i32>} : memref<2x128xi32, #tpu.memory_space<vmem>>, vector<1x16xi32>,
    %get3A_585 = arith.constant 1 : i32
    %get3A_586 = arith.index_cast %get3A_585 : i32 to index
    %get3A_587 = arith.constant 16 : index
    %get3A_588 = tpu.vector_load %arg9[%get3A_586, %get3A_587] {strides = array<i32>} : memref<2x128xi32, #tpu.memory_space<vmem>>, vector<1x16xi32>,
    %get3A_589 = vector.shape_cast %get3A_588 : vector<1x16xi32> to vector<16xi32>
    %add3A_590 = arith.constant 144 : i32
    %add3A_591 = arith.addi %mul3A_2, %add3A_590 : i32
    %add3A_592 = vector.broadcast %add3A_591 : i32 to vector<16xi32>
    %add3A_593 = arith.addi %add3A_592, %iota3A : vector<16xi32>
    %and3A_594 = arith.constant 1023 : i32
    %and3A_595 = vector.broadcast %and3A_594 : i32 to vector<16xi32>
    %and3A_596 = arith.andi %add3A_593, %and3A_595 : vector<16xi32>
    %add3A_597 = arith.constant 8192 : i32
    %add3A_598 = vector.broadcast %add3A_597 : i32 to vector<16xi32>
    %add3A_599 = arith.addi %add3A_598, %and3A_596 : vector<16xi32>
    %lt3A_600 = arith.constant 0 : i32
    %lt3A_601 = vector.broadcast %lt3A_600 : i32 to vector<16xi32>
    %lt3A_602 = arith.cmpi slt, %get3A_589, %lt3A_601 : vector<16xi32>
    %select_n3A_603 = arith.select %lt3A_602, %add3A_599, %get3A_589 : vector<16xi1>, vector<16xi32>
    %swap3A_604 = arith.constant 1 : i32
    %swap3A_605 = arith.index_cast %swap3A_604 : i32 to index
    %swap3A_606 = arith.constant 16 : index
    %swap3A_607 = tpu.vector_load %arg9[%swap3A_605, %swap3A_606] {strides = array<i32>} : memref<2x128xi32, #tpu.memory_space<vmem>>, vector<1x16xi32>,
    %swap3A_608 = vector.shape_cast %swap3A_607 : vector<1x16xi32> to vector<16xi32>
    %swap3A_609 = vector.shape_cast %select_n3A_603 : vector<16xi32> to vector<1x16xi32>
    tpu.vector_store %arg9[%swap3A_605, %swap3A_606], %swap3A_609 {strides = array<i32>} : memref<2x128xi32, #tpu.memory_space<vmem>>, vector<1x16xi32>,
    %get3A_610 = arith.constant 1 : i32
    %get3A_611 = arith.index_cast %get3A_610 : i32 to index
    %get3A_612 = arith.constant 32 : index
    %get3A_613 = tpu.vector_load %arg9[%get3A_611, %get3A_612] {strides = array<i32>} : memref<2x128xi32, #tpu.memory_space<vmem>>, vector<1x16xi32>,
    %get3A_614 = vector.shape_cast %get3A_613 : vector<1x16xi32> to vector<16xi32>
    %add3A_615 = arith.constant 160 : i32
    %add3A_616 = arith.addi %mul3A_2, %add3A_615 : i32
    %add3A_617 = vector.broadcast %add3A_616 : i32 to vector<16xi32>
    %add3A_618 = arith.addi %add3A_617, %iota3A : vector<16xi32>
    %and3A_619 = arith.constant 1023 : i32
    %and3A_620 = vector.broadcast %and3A_619 : i32 to vector<16xi32>
    %and3A_621 = arith.andi %add3A_618, %and3A_620 : vector<16xi32>
    %add3A_622 = arith.constant 8192 : i32
    %add3A_623 = vector.broadcast %add3A_622 : i32 to vector<16xi32>
    %add3A_624 = arith.addi %add3A_623, %and3A_621 : vector<16xi32>
    %lt3A_625 = arith.constant 0 : i32
    %lt3A_626 = vector.broadcast %lt3A_625 : i32 to vector<16xi32>
    %lt3A_627 = arith.cmpi slt, %get3A_614, %lt3A_626 : vector<16xi32>
    %select_n3A_628 = arith.select %lt3A_627, %add3A_624, %get3A_614 : vector<16xi1>, vector<16xi32>
    %swap3A_629 = arith.constant 1 : i32
    %swap3A_630 = arith.index_cast %swap3A_629 : i32 to index
    %swap3A_631 = arith.constant 32 : index
    %swap3A_632 = tpu.vector_load %arg9[%swap3A_630, %swap3A_631] {strides = array<i32>} : memref<2x128xi32, #tpu.memory_space<vmem>>, vector<1x16xi32>,
    %swap3A_633 = vector.shape_cast %swap3A_632 : vector<1x16xi32> to vector<16xi32>
    %swap3A_634 = vector.shape_cast %select_n3A_628 : vector<16xi32> to vector<1x16xi32>
    tpu.vector_store %arg9[%swap3A_630, %swap3A_631], %swap3A_634 {strides = array<i32>} : memref<2x128xi32, #tpu.memory_space<vmem>>, vector<1x16xi32>,
    %get3A_635 = arith.constant 1 : i32
    %get3A_636 = arith.index_cast %get3A_635 : i32 to index
    %get3A_637 = arith.constant 48 : index
    %get3A_638 = tpu.vector_load %arg9[%get3A_636, %get3A_637] {strides = array<i32>} : memref<2x128xi32, #tpu.memory_space<vmem>>, vector<1x16xi32>,
    %get3A_639 = vector.shape_cast %get3A_638 : vector<1x16xi32> to vector<16xi32>
    %add3A_640 = arith.constant 176 : i32
    %add3A_641 = arith.addi %mul3A_2, %add3A_640 : i32
    %add3A_642 = vector.broadcast %add3A_641 : i32 to vector<16xi32>
    %add3A_643 = arith.addi %add3A_642, %iota3A : vector<16xi32>
    %and3A_644 = arith.constant 1023 : i32
    %and3A_645 = vector.broadcast %and3A_644 : i32 to vector<16xi32>
    %and3A_646 = arith.andi %add3A_643, %and3A_645 : vector<16xi32>
    %add3A_647 = arith.constant 8192 : i32
    %add3A_648 = vector.broadcast %add3A_647 : i32 to vector<16xi32>
    %add3A_649 = arith.addi %add3A_648, %and3A_646 : vector<16xi32>
    %lt3A_650 = arith.constant 0 : i32
    %lt3A_651 = vector.broadcast %lt3A_650 : i32 to vector<16xi32>
    %lt3A_652 = arith.cmpi slt, %get3A_639, %lt3A_651 : vector<16xi32>
    %select_n3A_653 = arith.select %lt3A_652, %add3A_649, %get3A_639 : vector<16xi1>, vector<16xi32>
    %swap3A_654 = arith.constant 1 : i32
    %swap3A_655 = arith.index_cast %swap3A_654 : i32 to index
    %swap3A_656 = arith.constant 48 : index
    %swap3A_657 = tpu.vector_load %arg9[%swap3A_655, %swap3A_656] {strides = array<i32>} : memref<2x128xi32, #tpu.memory_space<vmem>>, vector<1x16xi32>,
    %swap3A_658 = vector.shape_cast %swap3A_657 : vector<1x16xi32> to vector<16xi32>
    %swap3A_659 = vector.shape_cast %select_n3A_653 : vector<16xi32> to vector<1x16xi32>
    tpu.vector_store %arg9[%swap3A_655, %swap3A_656], %swap3A_659 {strides = array<i32>} : memref<2x128xi32, #tpu.memory_space<vmem>>, vector<1x16xi32>,
    %get3A_660 = arith.constant 1 : i32
    %get3A_661 = arith.index_cast %get3A_660 : i32 to index
    %get3A_662 = arith.constant 64 : index
    %get3A_663 = tpu.vector_load %arg9[%get3A_661, %get3A_662] {strides = array<i32>} : memref<2x128xi32, #tpu.memory_space<vmem>>, vector<1x16xi32>,
    %get3A_664 = vector.shape_cast %get3A_663 : vector<1x16xi32> to vector<16xi32>
    %add3A_665 = arith.constant 192 : i32
    %add3A_666 = arith.addi %mul3A_2, %add3A_665 : i32
    %add3A_667 = vector.broadcast %add3A_666 : i32 to vector<16xi32>
    %add3A_668 = arith.addi %add3A_667, %iota3A : vector<16xi32>
    %and3A_669 = arith.constant 1023 : i32
    %and3A_670 = vector.broadcast %and3A_669 : i32 to vector<16xi32>
    %and3A_671 = arith.andi %add3A_668, %and3A_670 : vector<16xi32>
    %add3A_672 = arith.constant 8192 : i32
    %add3A_673 = vector.broadcast %add3A_672 : i32 to vector<16xi32>
    %add3A_674 = arith.addi %add3A_673, %and3A_671 : vector<16xi32>
    %lt3A_675 = arith.constant 0 : i32
    %lt3A_676 = vector.broadcast %lt3A_675 : i32 to vector<16xi32>
    %lt3A_677 = arith.cmpi slt, %get3A_664, %lt3A_676 : vector<16xi32>
    %select_n3A_678 = arith.select %lt3A_677, %add3A_674, %get3A_664 : vector<16xi1>, vector<16xi32>
    %swap3A_679 = arith.constant 1 : i32
    %swap3A_680 = arith.index_cast %swap3A_679 : i32 to index
    %swap3A_681 = arith.constant 64 : index
    %swap3A_682 = tpu.vector_load %arg9[%swap3A_680, %swap3A_681] {strides = array<i32>} : memref<2x128xi32, #tpu.memory_space<vmem>>, vector<1x16xi32>,
    %swap3A_683 = vector.shape_cast %swap3A_682 : vector<1x16xi32> to vector<16xi32>
    %swap3A_684 = vector.shape_cast %select_n3A_678 : vector<16xi32> to vector<1x16xi32>
    tpu.vector_store %arg9[%swap3A_680, %swap3A_681], %swap3A_684 {strides = array<i32>} : memref<2x128xi32, #tpu.memory_space<vmem>>, vector<1x16xi32>,
    %get3A_685 = arith.constant 1 : i32
    %get3A_686 = arith.index_cast %get3A_685 : i32 to index
    %get3A_687 = arith.constant 80 : index
    %get3A_688 = tpu.vector_load %arg9[%get3A_686, %get3A_687] {strides = array<i32>} : memref<2x128xi32, #tpu.memory_space<vmem>>, vector<1x16xi32>,
    %get3A_689 = vector.shape_cast %get3A_688 : vector<1x16xi32> to vector<16xi32>
    %add3A_690 = arith.constant 208 : i32
    %add3A_691 = arith.addi %mul3A_2, %add3A_690 : i32
    %add3A_692 = vector.broadcast %add3A_691 : i32 to vector<16xi32>
    %add3A_693 = arith.addi %add3A_692, %iota3A : vector<16xi32>
    %and3A_694 = arith.constant 1023 : i32
    %and3A_695 = vector.broadcast %and3A_694 : i32 to vector<16xi32>
    %and3A_696 = arith.andi %add3A_693, %and3A_695 : vector<16xi32>
    %add3A_697 = arith.constant 8192 : i32
    %add3A_698 = vector.broadcast %add3A_697 : i32 to vector<16xi32>
    %add3A_699 = arith.addi %add3A_698, %and3A_696 : vector<16xi32>
    %lt3A_700 = arith.constant 0 : i32
    %lt3A_701 = vector.broadcast %lt3A_700 : i32 to vector<16xi32>
    %lt3A_702 = arith.cmpi slt, %get3A_689, %lt3A_701 : vector<16xi32>
    %select_n3A_703 = arith.select %lt3A_702, %add3A_699, %get3A_689 : vector<16xi1>, vector<16xi32>
    %swap3A_704 = arith.constant 1 : i32
    %swap3A_705 = arith.index_cast %swap3A_704 : i32 to index
    %swap3A_706 = arith.constant 80 : index
    %swap3A_707 = tpu.vector_load %arg9[%swap3A_705, %swap3A_706] {strides = array<i32>} : memref<2x128xi32, #tpu.memory_space<vmem>>, vector<1x16xi32>,
    %swap3A_708 = vector.shape_cast %swap3A_707 : vector<1x16xi32> to vector<16xi32>
    %swap3A_709 = vector.shape_cast %select_n3A_703 : vector<16xi32> to vector<1x16xi32>
    tpu.vector_store %arg9[%swap3A_705, %swap3A_706], %swap3A_709 {strides = array<i32>} : memref<2x128xi32, #tpu.memory_space<vmem>>, vector<1x16xi32>,
    %get3A_710 = arith.constant 1 : i32
    %get3A_711 = arith.index_cast %get3A_710 : i32 to index
    %get3A_712 = arith.constant 96 : index
    %get3A_713 = tpu.vector_load %arg9[%get3A_711, %get3A_712] {strides = array<i32>} : memref<2x128xi32, #tpu.memory_space<vmem>>, vector<1x16xi32>,
    %get3A_714 = vector.shape_cast %get3A_713 : vector<1x16xi32> to vector<16xi32>
    %add3A_715 = arith.constant 224 : i32
    %add3A_716 = arith.addi %mul3A_2, %add3A_715 : i32
    %add3A_717 = vector.broadcast %add3A_716 : i32 to vector<16xi32>
    %add3A_718 = arith.addi %add3A_717, %iota3A : vector<16xi32>
    %and3A_719 = arith.constant 1023 : i32
    %and3A_720 = vector.broadcast %and3A_719 : i32 to vector<16xi32>
    %and3A_721 = arith.andi %add3A_718, %and3A_720 : vector<16xi32>
    %add3A_722 = arith.constant 8192 : i32
    %add3A_723 = vector.broadcast %add3A_722 : i32 to vector<16xi32>
    %add3A_724 = arith.addi %add3A_723, %and3A_721 : vector<16xi32>
    %lt3A_725 = arith.constant 0 : i32
    %lt3A_726 = vector.broadcast %lt3A_725 : i32 to vector<16xi32>
    %lt3A_727 = arith.cmpi slt, %get3A_714, %lt3A_726 : vector<16xi32>
    %select_n3A_728 = arith.select %lt3A_727, %add3A_724, %get3A_714 : vector<16xi1>, vector<16xi32>
    %swap3A_729 = arith.constant 1 : i32
    %swap3A_730 = arith.index_cast %swap3A_729 : i32 to index
    %swap3A_731 = arith.constant 96 : index
    %swap3A_732 = tpu.vector_load %arg9[%swap3A_730, %swap3A_731] {strides = array<i32>} : memref<2x128xi32, #tpu.memory_space<vmem>>, vector<1x16xi32>,
    %swap3A_733 = vector.shape_cast %swap3A_732 : vector<1x16xi32> to vector<16xi32>
    %swap3A_734 = vector.shape_cast %select_n3A_728 : vector<16xi32> to vector<1x16xi32>
    tpu.vector_store %arg9[%swap3A_730, %swap3A_731], %swap3A_734 {strides = array<i32>} : memref<2x128xi32, #tpu.memory_space<vmem>>, vector<1x16xi32>,
    %get3A_735 = arith.constant 1 : i32
    %get3A_736 = arith.index_cast %get3A_735 : i32 to index
    %get3A_737 = arith.constant 112 : index
    %get3A_738 = tpu.vector_load %arg9[%get3A_736, %get3A_737] {strides = array<i32>} : memref<2x128xi32, #tpu.memory_space<vmem>>, vector<1x16xi32>,
    %get3A_739 = vector.shape_cast %get3A_738 : vector<1x16xi32> to vector<16xi32>
    %add3A_740 = arith.constant 240 : i32
    %add3A_741 = arith.addi %mul3A_2, %add3A_740 : i32
    %add3A_742 = vector.broadcast %add3A_741 : i32 to vector<16xi32>
    %add3A_743 = arith.addi %add3A_742, %iota3A : vector<16xi32>
    %and3A_744 = arith.constant 1023 : i32
    %and3A_745 = vector.broadcast %and3A_744 : i32 to vector<16xi32>
    %and3A_746 = arith.andi %add3A_743, %and3A_745 : vector<16xi32>
    %add3A_747 = arith.constant 8192 : i32
    %add3A_748 = vector.broadcast %add3A_747 : i32 to vector<16xi32>
    %add3A_749 = arith.addi %add3A_748, %and3A_746 : vector<16xi32>
    %lt3A_750 = arith.constant 0 : i32
    %lt3A_751 = vector.broadcast %lt3A_750 : i32 to vector<16xi32>
    %lt3A_752 = arith.cmpi slt, %get3A_739, %lt3A_751 : vector<16xi32>
    %select_n3A_753 = arith.select %lt3A_752, %add3A_749, %get3A_739 : vector<16xi1>, vector<16xi32>
    %swap3A_754 = arith.constant 1 : i32
    %swap3A_755 = arith.index_cast %swap3A_754 : i32 to index
    %swap3A_756 = arith.constant 112 : index
    %swap3A_757 = tpu.vector_load %arg9[%swap3A_755, %swap3A_756] {strides = array<i32>} : memref<2x128xi32, #tpu.memory_space<vmem>>, vector<1x16xi32>,
    %swap3A_758 = vector.shape_cast %swap3A_757 : vector<1x16xi32> to vector<16xi32>
    %swap3A_759 = vector.shape_cast %select_n3A_753 : vector<16xi32> to vector<1x16xi32>
    tpu.vector_store %arg9[%swap3A_755, %swap3A_756], %swap3A_759 {strides = array<i32>} : memref<2x128xi32, #tpu.memory_space<vmem>>, vector<1x16xi32>,
    %dma_start3A_760 = arith.constant 1 : i32
    %dma_start3A_761 = arith.constant 4 : i32
    %dma_start3A_762 = arith.constant 0 : i32
    %dma_start3A_763 = arith.constant 0 : i32
    %dma_start3A_764 = tpu.memref_slice %arg10[%dma_start3A_761, %dma_start3A_762, %dma_start3A_763] : memref<6x32x512xf32, #tpu.memory_space<vmem>> -> memref<1x32x512xf32, #tpu.memory_space<vmem>>
    %dma_start3A_765 = tpu.memref_squeeze %dma_start3A_764 : memref<1x32x512xf32, #tpu.memory_space<vmem>> -> memref<32x512xf32, #tpu.memory_space<vmem>>
    %dma_start3A_766 = arith.constant 0 : i32
    %dma_start3A_767 = tpu.memref_slice %arg9[%dma_start3A_760, %dma_start3A_766] : memref<2x128xi32, #tpu.memory_space<vmem>> -> memref<1x32xi32, #tpu.memory_space<vmem>>
    %dma_start3A_768 = tpu.memref_squeeze %dma_start3A_767 : memref<1x32xi32, #tpu.memory_space<vmem>> -> memref<32xi32, #tpu.memory_space<vmem>>
    %dma_start3A_769 = arith.constant 0 : i32
    %dma_start3A_770 = arith.constant 0 : i32
    %dma_start3A_771 = tpu.memref_slice %arg2[%dma_start3A_769, %dma_start3A_770] : memref<9216x512xf32, #tpu.memory_space<hbm>> -> memref<9216x512xf32, #tpu.memory_space<hbm>>
    tpu.enqueue_indirect_dma source(%dma_start3A_771 : memref<9216x512xf32, #tpu.memory_space<hbm>>) target(%dma_start3A_765 : memref<32x512xf32, #tpu.memory_space<vmem>>) offsets(%dma_start3A_768 : memref<32xi32, #tpu.memory_space<vmem>>) semaphore(%arg15 : memref<!tpu.dma_semaphore, #tpu.memory_space<semaphore_mem>>)
    %dma_wait3A_772 = arith.constant 0 : i32
    %dma_wait3A_773 = arith.constant 0 : i32
    %dma_wait3A_774 = arith.constant 0 : i32
    %dma_wait3A_775 = arith.constant 0 : i32
    %dma_wait3A_776 = tpu.memref_slice %arg10[%dma_wait3A_773, %dma_wait3A_774, %dma_wait3A_775] : memref<6x32x512xf32, #tpu.memory_space<vmem>> -> memref<1x32x512xf32, #tpu.memory_space<vmem>>
    %dma_wait3A_777 = tpu.memref_squeeze %dma_wait3A_776 : memref<1x32x512xf32, #tpu.memory_space<vmem>> -> memref<32x512xf32, #tpu.memory_space<vmem>>
    %dma_wait3A_778 = arith.constant 0 : i32
    %dma_wait3A_779 = tpu.memref_slice %arg9[%dma_wait3A_772, %dma_wait3A_778] : memref<2x128xi32, #tpu.memory_space<vmem>> -> memref<1x32xi32, #tpu.memory_space<vmem>>
    %dma_wait3A_780 = tpu.memref_squeeze %dma_wait3A_779 : memref<1x32xi32, #tpu.memory_space<vmem>> -> memref<32xi32, #tpu.memory_space<vmem>>
    %dma_wait3A_781 = arith.constant 0 : i32
    %dma_wait3A_782 = arith.constant 0 : i32
    %dma_wait3A_783 = tpu.memref_slice %arg2[%dma_wait3A_781, %dma_wait3A_782] : memref<9216x512xf32, #tpu.memory_space<hbm>> -> memref<9216x512xf32, #tpu.memory_space<hbm>>
    tpu.wait_indirect_dma semaphore(%arg11 : memref<!tpu.dma_semaphore, #tpu.memory_space<semaphore_mem>>) src(%dma_wait3A_783 : memref<9216x512xf32, #tpu.memory_space<hbm>>) dst(%dma_wait3A_777 : memref<32x512xf32, #tpu.memory_space<vmem>>)
    %add3A_784 = arith.constant 0 : i32
    %add3A_785 = arith.addi %mul3A_2, %add3A_784 : i32
    %dma_start3A_786 = arith.constant 0 : i32
    %dma_start3A_787 = arith.constant 0 : i32
    %dma_start3A_788 = arith.constant 0 : i32
    %dma_start3A_789 = tpu.memref_slice %arg10[%dma_start3A_786, %dma_start3A_787, %dma_start3A_788] : memref<6x32x512xf32, #tpu.memory_space<vmem>> -> memref<1x32x512xf32, #tpu.memory_space<vmem>>
    %dma_start3A_790 = tpu.memref_squeeze %dma_start3A_789 : memref<1x32x512xf32, #tpu.memory_space<vmem>> -> memref<32x512xf32, #tpu.memory_space<vmem>>
    %dma_start3A_791 = arith.constant 0 : i32
    %dma_start3A_792 = tpu.memref_slice %arg5[%add3A_785, %dma_start3A_791] : memref<8192x512xf32, #tpu.memory_space<hbm>> -> memref<32x512xf32, #tpu.memory_space<hbm>>
    %dma_start3A_793 = arith.constant 0 : i32
    %dma_start3A_794 = tpu.memref_slice %arg5[%add3A_785, %dma_start3A_793] : memref<8192x512xf32, #tpu.memory_space<hbm>> -> memref<32x512xf32, #tpu.memory_space<hbm>>
    %dma_start3A_795 = arith.constant 0 : i32
    %dma_start3A_796 = arith.constant 0 : i32
    %dma_start3A_797 = tpu.memref_slice %arg10[%dma_start3A_786, %dma_start3A_795, %dma_start3A_796] : memref<6x32x512xf32, #tpu.memory_space<vmem>> -> memref<1x32x512xf32, #tpu.memory_space<vmem>>
    %dma_start3A_798 = tpu.memref_squeeze %dma_start3A_797 : memref<1x32x512xf32, #tpu.memory_space<vmem>> -> memref<32x512xf32, #tpu.memory_space<vmem>>
    tpu.enqueue_dma source(%dma_start3A_798 : memref<32x512xf32, #tpu.memory_space<vmem>>) target(%dma_start3A_794 : memref<32x512xf32, #tpu.memory_space<hbm>>) target_semaphore(%arg17 : memref<!tpu.dma_semaphore, #tpu.memory_space<semaphore_mem>>)
    %dma_start3A_799 = arith.constant 1 : i32
    %dma_start3A_800 = arith.constant 5 : i32
    %dma_start3A_801 = arith.constant 0 : i32
    %dma_start3A_802 = arith.constant 0 : i32
    %dma_start3A_803 = tpu.memref_slice %arg10[%dma_start3A_800, %dma_start3A_801, %dma_start3A_802] : memref<6x32x512xf32, #tpu.memory_space<vmem>> -> memref<1x32x512xf32, #tpu.memory_space<vmem>>
    %dma_start3A_804 = tpu.memref_squeeze %dma_start3A_803 : memref<1x32x512xf32, #tpu.memory_space<vmem>> -> memref<32x512xf32, #tpu.memory_space<vmem>>
    %dma_start3A_805 = arith.constant 32 : i32
    %dma_start3A_806 = tpu.memref_slice %arg9[%dma_start3A_799, %dma_start3A_805] : memref<2x128xi32, #tpu.memory_space<vmem>> -> memref<1x32xi32, #tpu.memory_space<vmem>>
    %dma_start3A_807 = tpu.memref_squeeze %dma_start3A_806 : memref<1x32xi32, #tpu.memory_space<vmem>> -> memref<32xi32, #tpu.memory_space<vmem>>
    %dma_start3A_808 = arith.constant 0 : i32
    %dma_start3A_809 = arith.constant 0 : i32
    %dma_start3A_810 = tpu.memref_slice %arg2[%dma_start3A_808, %dma_start3A_809] : memref<9216x512xf32, #tpu.memory_space<hbm>> -> memref<9216x512xf32, #tpu.memory_space<hbm>>
    tpu.enqueue_indirect_dma source(%dma_start3A_810 : memref<9216x512xf32, #tpu.memory_space<hbm>>) target(%dma_start3A_804 : memref<32x512xf32, #tpu.memory_space<vmem>>) offsets(%dma_start3A_807 : memref<32xi32, #tpu.memory_space<vmem>>) semaphore(%arg16 : memref<!tpu.dma_semaphore, #tpu.memory_space<semaphore_mem>>)
    %dma_wait3A_811 = arith.constant 0 : i32
    %dma_wait3A_812 = arith.constant 1 : i32
    %dma_wait3A_813 = arith.constant 0 : i32
    %dma_wait3A_814 = arith.constant 0 : i32
    %dma_wait3A_815 = tpu.memref_slice %arg10[%dma_wait3A_812, %dma_wait3A_813, %dma_wait3A_814] : memref<6x32x512xf32, #tpu.memory_space<vmem>> -> memref<1x32x512xf32, #tpu.memory_space<vmem>>
    %dma_wait3A_816 = tpu.memref_squeeze %dma_wait3A_815 : memref<1x32x512xf32, #tpu.memory_space<vmem>> -> memref<32x512xf32, #tpu.memory_space<vmem>>
    %dma_wait3A_817 = arith.constant 32 : i32
    %dma_wait3A_818 = tpu.memref_slice %arg9[%dma_wait3A_811, %dma_wait3A_817] : memref<2x128xi32, #tpu.memory_space<vmem>> -> memref<1x32xi32, #tpu.memory_space<vmem>>
    %dma_wait3A_819 = tpu.memref_squeeze %dma_wait3A_818 : memref<1x32xi32, #tpu.memory_space<vmem>> -> memref<32xi32, #tpu.memory_space<vmem>>
    %dma_wait3A_820 = arith.constant 0 : i32
    %dma_wait3A_821 = arith.constant 0 : i32
    %dma_wait3A_822 = tpu.memref_slice %arg2[%dma_wait3A_820, %dma_wait3A_821] : memref<9216x512xf32, #tpu.memory_space<hbm>> -> memref<9216x512xf32, #tpu.memory_space<hbm>>
    tpu.wait_indirect_dma semaphore(%arg12 : memref<!tpu.dma_semaphore, #tpu.memory_space<semaphore_mem>>) src(%dma_wait3A_822 : memref<9216x512xf32, #tpu.memory_space<hbm>>) dst(%dma_wait3A_816 : memref<32x512xf32, #tpu.memory_space<vmem>>)
    %add3A_823 = arith.constant 32 : i32
    %add3A_824 = arith.addi %mul3A_2, %add3A_823 : i32
    %dma_start3A_825 = arith.constant 1 : i32
    %dma_start3A_826 = arith.constant 0 : i32
    %dma_start3A_827 = arith.constant 0 : i32
    %dma_start3A_828 = tpu.memref_slice %arg10[%dma_start3A_825, %dma_start3A_826, %dma_start3A_827] : memref<6x32x512xf32, #tpu.memory_space<vmem>> -> memref<1x32x512xf32, #tpu.memory_space<vmem>>
    %dma_start3A_829 = tpu.memref_squeeze %dma_start3A_828 : memref<1x32x512xf32, #tpu.memory_space<vmem>> -> memref<32x512xf32, #tpu.memory_space<vmem>>
    %dma_start3A_830 = arith.constant 0 : i32
    %dma_start3A_831 = tpu.memref_slice %arg5[%add3A_824, %dma_start3A_830] : memref<8192x512xf32, #tpu.memory_space<hbm>> -> memref<32x512xf32, #tpu.memory_space<hbm>>
    %dma_start3A_832 = arith.constant 0 : i32
    %dma_start3A_833 = tpu.memref_slice %arg5[%add3A_824, %dma_start3A_832] : memref<8192x512xf32, #tpu.memory_space<hbm>> -> memref<32x512xf32, #tpu.memory_space<hbm>>
    %dma_start3A_834 = arith.constant 0 : i32
    %dma_start3A_835 = arith.constant 0 : i32
    %dma_start3A_836 = tpu.memref_slice %arg10[%dma_start3A_825, %dma_start3A_834, %dma_start3A_835] : memref<6x32x512xf32, #tpu.memory_space<vmem>> -> memref<1x32x512xf32, #tpu.memory_space<vmem>>
    %dma_start3A_837 = tpu.memref_squeeze %dma_start3A_836 : memref<1x32x512xf32, #tpu.memory_space<vmem>> -> memref<32x512xf32, #tpu.memory_space<vmem>>
    tpu.enqueue_dma source(%dma_start3A_837 : memref<32x512xf32, #tpu.memory_space<vmem>>) target(%dma_start3A_833 : memref<32x512xf32, #tpu.memory_space<hbm>>) target_semaphore(%arg18 : memref<!tpu.dma_semaphore, #tpu.memory_space<semaphore_mem>>)
    %dma_wait3A_838 = arith.constant 0 : i32
    %dma_wait3A_839 = arith.constant 0 : i32
    %dma_wait3A_840 = arith.constant 0 : i32
    %dma_wait3A_841 = tpu.memref_slice %arg10[%dma_wait3A_838, %dma_wait3A_839, %dma_wait3A_840] : memref<6x32x512xf32, #tpu.memory_space<vmem>> -> memref<1x32x512xf32, #tpu.memory_space<vmem>>
    %dma_wait3A_842 = tpu.memref_squeeze %dma_wait3A_841 : memref<1x32x512xf32, #tpu.memory_space<vmem>> -> memref<32x512xf32, #tpu.memory_space<vmem>>
    %dma_wait3A_843 = arith.constant 0 : i32
    %dma_wait3A_844 = tpu.memref_slice %arg5[%add3A_785, %dma_wait3A_843] : memref<8192x512xf32, #tpu.memory_space<hbm>> -> memref<32x512xf32, #tpu.memory_space<hbm>>
    %dma_wait3A_845 = arith.constant 0 : i32
    %dma_wait3A_846 = tpu.memref_slice %arg5[%add3A_785, %dma_wait3A_845] : memref<8192x512xf32, #tpu.memory_space<hbm>> -> memref<32x512xf32, #tpu.memory_space<hbm>>
    %dma_wait3A_847 = arith.constant 0 : i32
    %dma_wait3A_848 = arith.constant 0 : i32
    %dma_wait3A_849 = tpu.memref_slice %arg10[%dma_wait3A_838, %dma_wait3A_847, %dma_wait3A_848] : memref<6x32x512xf32, #tpu.memory_space<vmem>> -> memref<1x32x512xf32, #tpu.memory_space<vmem>>
    %dma_wait3A_850 = tpu.memref_squeeze %dma_wait3A_849 : memref<1x32x512xf32, #tpu.memory_space<vmem>> -> memref<32x512xf32, #tpu.memory_space<vmem>>
    tpu.wait_dma2 semaphore(%arg17 : memref<!tpu.dma_semaphore, #tpu.memory_space<semaphore_mem>>) src(%dma_wait3A_850 : memref<32x512xf32, #tpu.memory_space<vmem>>) dst(%dma_wait3A_846 : memref<32x512xf32, #tpu.memory_space<hbm>>)
    %dma_start3A_851 = arith.constant 1 : i32
    %dma_start3A_852 = arith.constant 0 : i32
    %dma_start3A_853 = arith.constant 0 : i32
    %dma_start3A_854 = arith.constant 0 : i32
    %dma_start3A_855 = tpu.memref_slice %arg10[%dma_start3A_852, %dma_start3A_853, %dma_start3A_854] : memref<6x32x512xf32, #tpu.memory_space<vmem>> -> memref<1x32x512xf32, #tpu.memory_space<vmem>>
    %dma_start3A_856 = tpu.memref_squeeze %dma_start3A_855 : memref<1x32x512xf32, #tpu.memory_space<vmem>> -> memref<32x512xf32, #tpu.memory_space<vmem>>
    %dma_start3A_857 = arith.constant 64 : i32
    %dma_start3A_858 = tpu.memref_slice %arg9[%dma_start3A_851, %dma_start3A_857] : memref<2x128xi32, #tpu.memory_space<vmem>> -> memref<1x32xi32, #tpu.memory_space<vmem>>
    %dma_start3A_859 = tpu.memref_squeeze %dma_start3A_858 : memref<1x32xi32, #tpu.memory_space<vmem>> -> memref<32xi32, #tpu.memory_space<vmem>>
    %dma_start3A_860 = arith.constant 0 : i32
    %dma_start3A_861 = arith.constant 0 : i32
    %dma_start3A_862 = tpu.memref_slice %arg2[%dma_start3A_860, %dma_start3A_861] : memref<9216x512xf32, #tpu.memory_space<hbm>> -> memref<9216x512xf32, #tpu.memory_space<hbm>>
    tpu.enqueue_indirect_dma source(%dma_start3A_862 : memref<9216x512xf32, #tpu.memory_space<hbm>>) target(%dma_start3A_856 : memref<32x512xf32, #tpu.memory_space<vmem>>) offsets(%dma_start3A_859 : memref<32xi32, #tpu.memory_space<vmem>>) semaphore(%arg11 : memref<!tpu.dma_semaphore, #tpu.memory_space<semaphore_mem>>)
    %dma_wait3A_863 = arith.constant 0 : i32
    %dma_wait3A_864 = arith.constant 2 : i32
    %dma_wait3A_865 = arith.constant 0 : i32
    %dma_wait3A_866 = arith.constant 0 : i32
    %dma_wait3A_867 = tpu.memref_slice %arg10[%dma_wait3A_864, %dma_wait3A_865, %dma_wait3A_866] : memref<6x32x512xf32, #tpu.memory_space<vmem>> -> memref<1x32x512xf32, #tpu.memory_space<vmem>>
    %dma_wait3A_868 = tpu.memref_squeeze %dma_wait3A_867 : memref<1x32x512xf32, #tpu.memory_space<vmem>> -> memref<32x512xf32, #tpu.memory_space<vmem>>
    %dma_wait3A_869 = arith.constant 64 : i32
    %dma_wait3A_870 = tpu.memref_slice %arg9[%dma_wait3A_863, %dma_wait3A_869] : memref<2x128xi32, #tpu.memory_space<vmem>> -> memref<1x32xi32, #tpu.memory_space<vmem>>
    %dma_wait3A_871 = tpu.memref_squeeze %dma_wait3A_870 : memref<1x32xi32, #tpu.memory_space<vmem>> -> memref<32xi32, #tpu.memory_space<vmem>>
    %dma_wait3A_872 = arith.constant 0 : i32
    %dma_wait3A_873 = arith.constant 0 : i32
    %dma_wait3A_874 = tpu.memref_slice %arg2[%dma_wait3A_872, %dma_wait3A_873] : memref<9216x512xf32, #tpu.memory_space<hbm>> -> memref<9216x512xf32, #tpu.memory_space<hbm>>
    tpu.wait_indirect_dma semaphore(%arg13 : memref<!tpu.dma_semaphore, #tpu.memory_space<semaphore_mem>>) src(%dma_wait3A_874 : memref<9216x512xf32, #tpu.memory_space<hbm>>) dst(%dma_wait3A_868 : memref<32x512xf32, #tpu.memory_space<vmem>>)
    %add3A_875 = arith.constant 64 : i32
    %add3A_876 = arith.addi %mul3A_2, %add3A_875 : i32
    %dma_start3A_877 = arith.constant 2 : i32
    %dma_start3A_878 = arith.constant 0 : i32
    %dma_start3A_879 = arith.constant 0 : i32
    %dma_start3A_880 = tpu.memref_slice %arg10[%dma_start3A_877, %dma_start3A_878, %dma_start3A_879] : memref<6x32x512xf32, #tpu.memory_space<vmem>> -> memref<1x32x512xf32, #tpu.memory_space<vmem>>
    %dma_start3A_881 = tpu.memref_squeeze %dma_start3A_880 : memref<1x32x512xf32, #tpu.memory_space<vmem>> -> memref<32x512xf32, #tpu.memory_space<vmem>>
    %dma_start3A_882 = arith.constant 0 : i32
    %dma_start3A_883 = tpu.memref_slice %arg5[%add3A_876, %dma_start3A_882] : memref<8192x512xf32, #tpu.memory_space<hbm>> -> memref<32x512xf32, #tpu.memory_space<hbm>>
    %dma_start3A_884 = arith.constant 0 : i32
    %dma_start3A_885 = tpu.memref_slice %arg5[%add3A_876, %dma_start3A_884] : memref<8192x512xf32, #tpu.memory_space<hbm>> -> memref<32x512xf32, #tpu.memory_space<hbm>>
    %dma_start3A_886 = arith.constant 0 : i32
    %dma_start3A_887 = arith.constant 0 : i32
    %dma_start3A_888 = tpu.memref_slice %arg10[%dma_start3A_877, %dma_start3A_886, %dma_start3A_887] : memref<6x32x512xf32, #tpu.memory_space<vmem>> -> memref<1x32x512xf32, #tpu.memory_space<vmem>>
    %dma_start3A_889 = tpu.memref_squeeze %dma_start3A_888 : memref<1x32x512xf32, #tpu.memory_space<vmem>> -> memref<32x512xf32, #tpu.memory_space<vmem>>
    tpu.enqueue_dma source(%dma_start3A_889 : memref<32x512xf32, #tpu.memory_space<vmem>>) target(%dma_start3A_885 : memref<32x512xf32, #tpu.memory_space<hbm>>) target_semaphore(%arg19 : memref<!tpu.dma_semaphore, #tpu.memory_space<semaphore_mem>>)
    %dma_wait3A_890 = arith.constant 1 : i32
    %dma_wait3A_891 = arith.constant 0 : i32
    %dma_wait3A_892 = arith.constant 0 : i32
    %dma_wait3A_893 = tpu.memref_slice %arg10[%dma_wait3A_890, %dma_wait3A_891, %dma_wait3A_892] : memref<6x32x512xf32, #tpu.memory_space<vmem>> -> memref<1x32x512xf32, #tpu.memory_space<vmem>>
    %dma_wait3A_894 = tpu.memref_squeeze %dma_wait3A_893 : memref<1x32x512xf32, #tpu.memory_space<vmem>> -> memref<32x512xf32, #tpu.memory_space<vmem>>
    %dma_wait3A_895 = arith.constant 0 : i32
    %dma_wait3A_896 = tpu.memref_slice %arg5[%add3A_824, %dma_wait3A_895] : memref<8192x512xf32, #tpu.memory_space<hbm>> -> memref<32x512xf32, #tpu.memory_space<hbm>>
    %dma_wait3A_897 = arith.constant 0 : i32
    %dma_wait3A_898 = tpu.memref_slice %arg5[%add3A_824, %dma_wait3A_897] : memref<8192x512xf32, #tpu.memory_space<hbm>> -> memref<32x512xf32, #tpu.memory_space<hbm>>
    %dma_wait3A_899 = arith.constant 0 : i32
    %dma_wait3A_900 = arith.constant 0 : i32
    %dma_wait3A_901 = tpu.memref_slice %arg10[%dma_wait3A_890, %dma_wait3A_899, %dma_wait3A_900] : memref<6x32x512xf32, #tpu.memory_space<vmem>> -> memref<1x32x512xf32, #tpu.memory_space<vmem>>
    %dma_wait3A_902 = tpu.memref_squeeze %dma_wait3A_901 : memref<1x32x512xf32, #tpu.memory_space<vmem>> -> memref<32x512xf32, #tpu.memory_space<vmem>>
    tpu.wait_dma2 semaphore(%arg18 : memref<!tpu.dma_semaphore, #tpu.memory_space<semaphore_mem>>) src(%dma_wait3A_902 : memref<32x512xf32, #tpu.memory_space<vmem>>) dst(%dma_wait3A_898 : memref<32x512xf32, #tpu.memory_space<hbm>>)
    %dma_start3A_903 = arith.constant 1 : i32
    %dma_start3A_904 = arith.constant 1 : i32
    %dma_start3A_905 = arith.constant 0 : i32
    %dma_start3A_906 = arith.constant 0 : i32
    %dma_start3A_907 = tpu.memref_slice %arg10[%dma_start3A_904, %dma_start3A_905, %dma_start3A_906] : memref<6x32x512xf32, #tpu.memory_space<vmem>> -> memref<1x32x512xf32, #tpu.memory_space<vmem>>
    %dma_start3A_908 = tpu.memref_squeeze %dma_start3A_907 : memref<1x32x512xf32, #tpu.memory_space<vmem>> -> memref<32x512xf32, #tpu.memory_space<vmem>>
    %dma_start3A_909 = arith.constant 96 : i32
    %dma_start3A_910 = tpu.memref_slice %arg9[%dma_start3A_903, %dma_start3A_909] : memref<2x128xi32, #tpu.memory_space<vmem>> -> memref<1x32xi32, #tpu.memory_space<vmem>>
    %dma_start3A_911 = tpu.memref_squeeze %dma_start3A_910 : memref<1x32xi32, #tpu.memory_space<vmem>> -> memref<32xi32, #tpu.memory_space<vmem>>
    %dma_start3A_912 = arith.constant 0 : i32
    %dma_start3A_913 = arith.constant 0 : i32
    %dma_start3A_914 = tpu.memref_slice %arg2[%dma_start3A_912, %dma_start3A_913] : memref<9216x512xf32, #tpu.memory_space<hbm>> -> memref<9216x512xf32, #tpu.memory_space<hbm>>
    tpu.enqueue_indirect_dma source(%dma_start3A_914 : memref<9216x512xf32, #tpu.memory_space<hbm>>) target(%dma_start3A_908 : memref<32x512xf32, #tpu.memory_space<vmem>>) offsets(%dma_start3A_911 : memref<32xi32, #tpu.memory_space<vmem>>) semaphore(%arg12 : memref<!tpu.dma_semaphore, #tpu.memory_space<semaphore_mem>>)
    %dma_wait3A_915 = arith.constant 0 : i32
    %dma_wait3A_916 = arith.constant 3 : i32
    %dma_wait3A_917 = arith.constant 0 : i32
    %dma_wait3A_918 = arith.constant 0 : i32
    %dma_wait3A_919 = tpu.memref_slice %arg10[%dma_wait3A_916, %dma_wait3A_917, %dma_wait3A_918] : memref<6x32x512xf32, #tpu.memory_space<vmem>> -> memref<1x32x512xf32, #tpu.memory_space<vmem>>
    %dma_wait3A_920 = tpu.memref_squeeze %dma_wait3A_919 : memref<1x32x512xf32, #tpu.memory_space<vmem>> -> memref<32x512xf32, #tpu.memory_space<vmem>>
    %dma_wait3A_921 = arith.constant 96 : i32
    %dma_wait3A_922 = tpu.memref_slice %arg9[%dma_wait3A_915, %dma_wait3A_921] : memref<2x128xi32, #tpu.memory_space<vmem>> -> memref<1x32xi32, #tpu.memory_space<vmem>>
    %dma_wait3A_923 = tpu.memref_squeeze %dma_wait3A_922 : memref<1x32xi32, #tpu.memory_space<vmem>> -> memref<32xi32, #tpu.memory_space<vmem>>
    %dma_wait3A_924 = arith.constant 0 : i32
    %dma_wait3A_925 = arith.constant 0 : i32
    %dma_wait3A_926 = tpu.memref_slice %arg2[%dma_wait3A_924, %dma_wait3A_925] : memref<9216x512xf32, #tpu.memory_space<hbm>> -> memref<9216x512xf32, #tpu.memory_space<hbm>>
    tpu.wait_indirect_dma semaphore(%arg14 : memref<!tpu.dma_semaphore, #tpu.memory_space<semaphore_mem>>) src(%dma_wait3A_926 : memref<9216x512xf32, #tpu.memory_space<hbm>>) dst(%dma_wait3A_920 : memref<32x512xf32, #tpu.memory_space<vmem>>)
    %add3A_927 = arith.constant 96 : i32
    %add3A_928 = arith.addi %mul3A_2, %add3A_927 : i32
    %dma_start3A_929 = arith.constant 3 : i32
    %dma_start3A_930 = arith.constant 0 : i32
    %dma_start3A_931 = arith.constant 0 : i32
    %dma_start3A_932 = tpu.memref_slice %arg10[%dma_start3A_929, %dma_start3A_930, %dma_start3A_931] : memref<6x32x512xf32, #tpu.memory_space<vmem>> -> memref<1x32x512xf32, #tpu.memory_space<vmem>>
    %dma_start3A_933 = tpu.memref_squeeze %dma_start3A_932 : memref<1x32x512xf32, #tpu.memory_space<vmem>> -> memref<32x512xf32, #tpu.memory_space<vmem>>
    %dma_start3A_934 = arith.constant 0 : i32
    %dma_start3A_935 = tpu.memref_slice %arg5[%add3A_928, %dma_start3A_934] : memref<8192x512xf32, #tpu.memory_space<hbm>> -> memref<32x512xf32, #tpu.memory_space<hbm>>
    %dma_start3A_936 = arith.constant 0 : i32
    %dma_start3A_937 = tpu.memref_slice %arg5[%add3A_928, %dma_start3A_936] : memref<8192x512xf32, #tpu.memory_space<hbm>> -> memref<32x512xf32, #tpu.memory_space<hbm>>
    %dma_start3A_938 = arith.constant 0 : i32
    %dma_start3A_939 = arith.constant 0 : i32
    %dma_start3A_940 = tpu.memref_slice %arg10[%dma_start3A_929, %dma_start3A_938, %dma_start3A_939] : memref<6x32x512xf32, #tpu.memory_space<vmem>> -> memref<1x32x512xf32, #tpu.memory_space<vmem>>
    %dma_start3A_941 = tpu.memref_squeeze %dma_start3A_940 : memref<1x32x512xf32, #tpu.memory_space<vmem>> -> memref<32x512xf32, #tpu.memory_space<vmem>>
    tpu.enqueue_dma source(%dma_start3A_941 : memref<32x512xf32, #tpu.memory_space<vmem>>) target(%dma_start3A_937 : memref<32x512xf32, #tpu.memory_space<hbm>>) target_semaphore(%arg20 : memref<!tpu.dma_semaphore, #tpu.memory_space<semaphore_mem>>)
    %dma_wait3A_942 = arith.constant 1 : i32
    %dma_wait3A_943 = arith.constant 4 : i32
    %dma_wait3A_944 = arith.constant 0 : i32
    %dma_wait3A_945 = arith.constant 0 : i32
    %dma_wait3A_946 = tpu.memref_slice %arg10[%dma_wait3A_943, %dma_wait3A_944, %dma_wait3A_945] : memref<6x32x512xf32, #tpu.memory_space<vmem>> -> memref<1x32x512xf32, #tpu.memory_space<vmem>>
    %dma_wait3A_947 = tpu.memref_squeeze %dma_wait3A_946 : memref<1x32x512xf32, #tpu.memory_space<vmem>> -> memref<32x512xf32, #tpu.memory_space<vmem>>
    %dma_wait3A_948 = arith.constant 0 : i32
    %dma_wait3A_949 = tpu.memref_slice %arg9[%dma_wait3A_942, %dma_wait3A_948] : memref<2x128xi32, #tpu.memory_space<vmem>> -> memref<1x32xi32, #tpu.memory_space<vmem>>
    %dma_wait3A_950 = tpu.memref_squeeze %dma_wait3A_949 : memref<1x32xi32, #tpu.memory_space<vmem>> -> memref<32xi32, #tpu.memory_space<vmem>>
    %dma_wait3A_951 = arith.constant 0 : i32
    %dma_wait3A_952 = arith.constant 0 : i32
    %dma_wait3A_953 = tpu.memref_slice %arg2[%dma_wait3A_951, %dma_wait3A_952] : memref<9216x512xf32, #tpu.memory_space<hbm>> -> memref<9216x512xf32, #tpu.memory_space<hbm>>
    tpu.wait_indirect_dma semaphore(%arg15 : memref<!tpu.dma_semaphore, #tpu.memory_space<semaphore_mem>>) src(%dma_wait3A_953 : memref<9216x512xf32, #tpu.memory_space<hbm>>) dst(%dma_wait3A_947 : memref<32x512xf32, #tpu.memory_space<vmem>>)
    %add3A_954 = arith.constant 128 : i32
    %add3A_955 = arith.addi %mul3A_2, %add3A_954 : i32
    %dma_start3A_956 = arith.constant 4 : i32
    %dma_start3A_957 = arith.constant 0 : i32
    %dma_start3A_958 = arith.constant 0 : i32
    %dma_start3A_959 = tpu.memref_slice %arg10[%dma_start3A_956, %dma_start3A_957, %dma_start3A_958] : memref<6x32x512xf32, #tpu.memory_space<vmem>> -> memref<1x32x512xf32, #tpu.memory_space<vmem>>
    %dma_start3A_960 = tpu.memref_squeeze %dma_start3A_959 : memref<1x32x512xf32, #tpu.memory_space<vmem>> -> memref<32x512xf32, #tpu.memory_space<vmem>>
    %dma_start3A_961 = arith.constant 0 : i32
    %dma_start3A_962 = tpu.memref_slice %arg5[%add3A_955, %dma_start3A_961] : memref<8192x512xf32, #tpu.memory_space<hbm>> -> memref<32x512xf32, #tpu.memory_space<hbm>>
    %dma_start3A_963 = arith.constant 0 : i32
    %dma_start3A_964 = tpu.memref_slice %arg5[%add3A_955, %dma_start3A_963] : memref<8192x512xf32, #tpu.memory_space<hbm>> -> memref<32x512xf32, #tpu.memory_space<hbm>>
    %dma_start3A_965 = arith.constant 0 : i32
    %dma_start3A_966 = arith.constant 0 : i32
    %dma_start3A_967 = tpu.memref_slice %arg10[%dma_start3A_956, %dma_start3A_965, %dma_start3A_966] : memref<6x32x512xf32, #tpu.memory_space<vmem>> -> memref<1x32x512xf32, #tpu.memory_space<vmem>>
    %dma_start3A_968 = tpu.memref_squeeze %dma_start3A_967 : memref<1x32x512xf32, #tpu.memory_space<vmem>> -> memref<32x512xf32, #tpu.memory_space<vmem>>
    tpu.enqueue_dma source(%dma_start3A_968 : memref<32x512xf32, #tpu.memory_space<vmem>>) target(%dma_start3A_964 : memref<32x512xf32, #tpu.memory_space<hbm>>) target_semaphore(%arg21 : memref<!tpu.dma_semaphore, #tpu.memory_space<semaphore_mem>>)
    %dma_wait3A_969 = arith.constant 1 : i32
    %dma_wait3A_970 = arith.constant 5 : i32
    %dma_wait3A_971 = arith.constant 0 : i32
    %dma_wait3A_972 = arith.constant 0 : i32
    %dma_wait3A_973 = tpu.memref_slice %arg10[%dma_wait3A_970, %dma_wait3A_971, %dma_wait3A_972] : memref<6x32x512xf32, #tpu.memory_space<vmem>> -> memref<1x32x512xf32, #tpu.memory_space<vmem>>
    %dma_wait3A_974 = tpu.memref_squeeze %dma_wait3A_973 : memref<1x32x512xf32, #tpu.memory_space<vmem>> -> memref<32x512xf32, #tpu.memory_space<vmem>>
    %dma_wait3A_975 = arith.constant 32 : i32
    %dma_wait3A_976 = tpu.memref_slice %arg9[%dma_wait3A_969, %dma_wait3A_975] : memref<2x128xi32, #tpu.memory_space<vmem>> -> memref<1x32xi32, #tpu.memory_space<vmem>>
    %dma_wait3A_977 = tpu.memref_squeeze %dma_wait3A_976 : memref<1x32xi32, #tpu.memory_space<vmem>> -> memref<32xi32, #tpu.memory_space<vmem>>
    %dma_wait3A_978 = arith.constant 0 : i32
    %dma_wait3A_979 = arith.constant 0 : i32
    %dma_wait3A_980 = tpu.memref_slice %arg2[%dma_wait3A_978, %dma_wait3A_979] : memref<9216x512xf32, #tpu.memory_space<hbm>> -> memref<9216x512xf32, #tpu.memory_space<hbm>>
    tpu.wait_indirect_dma semaphore(%arg16 : memref<!tpu.dma_semaphore, #tpu.memory_space<semaphore_mem>>) src(%dma_wait3A_980 : memref<9216x512xf32, #tpu.memory_space<hbm>>) dst(%dma_wait3A_974 : memref<32x512xf32, #tpu.memory_space<vmem>>)
    %add3A_981 = arith.constant 160 : i32
    %add3A_982 = arith.addi %mul3A_2, %add3A_981 : i32
    %dma_start3A_983 = arith.constant 5 : i32
    %dma_start3A_984 = arith.constant 0 : i32
    %dma_start3A_985 = arith.constant 0 : i32
    %dma_start3A_986 = tpu.memref_slice %arg10[%dma_start3A_983, %dma_start3A_984, %dma_start3A_985] : memref<6x32x512xf32, #tpu.memory_space<vmem>> -> memref<1x32x512xf32, #tpu.memory_space<vmem>>
    %dma_start3A_987 = tpu.memref_squeeze %dma_start3A_986 : memref<1x32x512xf32, #tpu.memory_space<vmem>> -> memref<32x512xf32, #tpu.memory_space<vmem>>
    %dma_start3A_988 = arith.constant 0 : i32
    %dma_start3A_989 = tpu.memref_slice %arg5[%add3A_982, %dma_start3A_988] : memref<8192x512xf32, #tpu.memory_space<hbm>> -> memref<32x512xf32, #tpu.memory_space<hbm>>
    %dma_start3A_990 = arith.constant 0 : i32
    %dma_start3A_991 = tpu.memref_slice %arg5[%add3A_982, %dma_start3A_990] : memref<8192x512xf32, #tpu.memory_space<hbm>> -> memref<32x512xf32, #tpu.memory_space<hbm>>
    %dma_start3A_992 = arith.constant 0 : i32
    %dma_start3A_993 = arith.constant 0 : i32
    %dma_start3A_994 = tpu.memref_slice %arg10[%dma_start3A_983, %dma_start3A_992, %dma_start3A_993] : memref<6x32x512xf32, #tpu.memory_space<vmem>> -> memref<1x32x512xf32, #tpu.memory_space<vmem>>
    %dma_start3A_995 = tpu.memref_squeeze %dma_start3A_994 : memref<1x32x512xf32, #tpu.memory_space<vmem>> -> memref<32x512xf32, #tpu.memory_space<vmem>>
    tpu.enqueue_dma source(%dma_start3A_995 : memref<32x512xf32, #tpu.memory_space<vmem>>) target(%dma_start3A_991 : memref<32x512xf32, #tpu.memory_space<hbm>>) target_semaphore(%arg22 : memref<!tpu.dma_semaphore, #tpu.memory_space<semaphore_mem>>)
    %dma_wait3A_996 = arith.constant 1 : i32
    %dma_wait3A_997 = arith.constant 0 : i32
    %dma_wait3A_998 = arith.constant 0 : i32
    %dma_wait3A_999 = arith.constant 0 : i32
    %dma_wait3A_1000 = tpu.memref_slice %arg10[%dma_wait3A_997, %dma_wait3A_998, %dma_wait3A_999] : memref<6x32x512xf32, #tpu.memory_space<vmem>> -> memref<1x32x512xf32, #tpu.memory_space<vmem>>
    %dma_wait3A_1001 = tpu.memref_squeeze %dma_wait3A_1000 : memref<1x32x512xf32, #tpu.memory_space<vmem>> -> memref<32x512xf32, #tpu.memory_space<vmem>>
    %dma_wait3A_1002 = arith.constant 64 : i32
    %dma_wait3A_1003 = tpu.memref_slice %arg9[%dma_wait3A_996, %dma_wait3A_1002] : memref<2x128xi32, #tpu.memory_space<vmem>> -> memref<1x32xi32, #tpu.memory_space<vmem>>
    %dma_wait3A_1004 = tpu.memref_squeeze %dma_wait3A_1003 : memref<1x32xi32, #tpu.memory_space<vmem>> -> memref<32xi32, #tpu.memory_space<vmem>>
    %dma_wait3A_1005 = arith.constant 0 : i32
    %dma_wait3A_1006 = arith.constant 0 : i32
    %dma_wait3A_1007 = tpu.memref_slice %arg2[%dma_wait3A_1005, %dma_wait3A_1006] : memref<9216x512xf32, #tpu.memory_space<hbm>> -> memref<9216x512xf32, #tpu.memory_space<hbm>>
    tpu.wait_indirect_dma semaphore(%arg11 : memref<!tpu.dma_semaphore, #tpu.memory_space<semaphore_mem>>) src(%dma_wait3A_1007 : memref<9216x512xf32, #tpu.memory_space<hbm>>) dst(%dma_wait3A_1001 : memref<32x512xf32, #tpu.memory_space<vmem>>)
    %add3A_1008 = arith.constant 192 : i32
    %add3A_1009 = arith.addi %mul3A_2, %add3A_1008 : i32
    %dma_start3A_1010 = arith.constant 0 : i32
    %dma_start3A_1011 = arith.constant 0 : i32
    %dma_start3A_1012 = arith.constant 0 : i32
    %dma_start3A_1013 = tpu.memref_slice %arg10[%dma_start3A_1010, %dma_start3A_1011, %dma_start3A_1012] : memref<6x32x512xf32, #tpu.memory_space<vmem>> -> memref<1x32x512xf32, #tpu.memory_space<vmem>>
    %dma_start3A_1014 = tpu.memref_squeeze %dma_start3A_1013 : memref<1x32x512xf32, #tpu.memory_space<vmem>> -> memref<32x512xf32, #tpu.memory_space<vmem>>
    %dma_start3A_1015 = arith.constant 0 : i32
    %dma_start3A_1016 = tpu.memref_slice %arg5[%add3A_1009, %dma_start3A_1015] : memref<8192x512xf32, #tpu.memory_space<hbm>> -> memref<32x512xf32, #tpu.memory_space<hbm>>
    %dma_start3A_1017 = arith.constant 0 : i32
    %dma_start3A_1018 = tpu.memref_slice %arg5[%add3A_1009, %dma_start3A_1017] : memref<8192x512xf32, #tpu.memory_space<hbm>> -> memref<32x512xf32, #tpu.memory_space<hbm>>
    %dma_start3A_1019 = arith.constant 0 : i32
    %dma_start3A_1020 = arith.constant 0 : i32
    %dma_start3A_1021 = tpu.memref_slice %arg10[%dma_start3A_1010, %dma_start3A_1019, %dma_start3A_1020] : memref<6x32x512xf32, #tpu.memory_space<vmem>> -> memref<1x32x512xf32, #tpu.memory_space<vmem>>
    %dma_start3A_1022 = tpu.memref_squeeze %dma_start3A_1021 : memref<1x32x512xf32, #tpu.memory_space<vmem>> -> memref<32x512xf32, #tpu.memory_space<vmem>>
    tpu.enqueue_dma source(%dma_start3A_1022 : memref<32x512xf32, #tpu.memory_space<vmem>>) target(%dma_start3A_1018 : memref<32x512xf32, #tpu.memory_space<hbm>>) target_semaphore(%arg17 : memref<!tpu.dma_semaphore, #tpu.memory_space<semaphore_mem>>)
    %dma_wait3A_1023 = arith.constant 1 : i32
    %dma_wait3A_1024 = arith.constant 1 : i32
    %dma_wait3A_1025 = arith.constant 0 : i32
    %dma_wait3A_1026 = arith.constant 0 : i32
    %dma_wait3A_1027 = tpu.memref_slice %arg10[%dma_wait3A_1024, %dma_wait3A_1025, %dma_wait3A_1026] : memref<6x32x512xf32, #tpu.memory_space<vmem>> -> memref<1x32x512xf32, #tpu.memory_space<vmem>>
    %dma_wait3A_1028 = tpu.memref_squeeze %dma_wait3A_1027 : memref<1x32x512xf32, #tpu.memory_space<vmem>> -> memref<32x512xf32, #tpu.memory_space<vmem>>
    %dma_wait3A_1029 = arith.constant 96 : i32
    %dma_wait3A_1030 = tpu.memref_slice %arg9[%dma_wait3A_1023, %dma_wait3A_1029] : memref<2x128xi32, #tpu.memory_space<vmem>> -> memref<1x32xi32, #tpu.memory_space<vmem>>
    %dma_wait3A_1031 = tpu.memref_squeeze %dma_wait3A_1030 : memref<1x32xi32, #tpu.memory_space<vmem>> -> memref<32xi32, #tpu.memory_space<vmem>>
    %dma_wait3A_1032 = arith.constant 0 : i32
    %dma_wait3A_1033 = arith.constant 0 : i32
    %dma_wait3A_1034 = tpu.memref_slice %arg2[%dma_wait3A_1032, %dma_wait3A_1033] : memref<9216x512xf32, #tpu.memory_space<hbm>> -> memref<9216x512xf32, #tpu.memory_space<hbm>>
    tpu.wait_indirect_dma semaphore(%arg12 : memref<!tpu.dma_semaphore, #tpu.memory_space<semaphore_mem>>) src(%dma_wait3A_1034 : memref<9216x512xf32, #tpu.memory_space<hbm>>) dst(%dma_wait3A_1028 : memref<32x512xf32, #tpu.memory_space<vmem>>)
    %add3A_1035 = arith.constant 224 : i32
    %add3A_1036 = arith.addi %mul3A_2, %add3A_1035 : i32
    %dma_start3A_1037 = arith.constant 1 : i32
    %dma_start3A_1038 = arith.constant 0 : i32
    %dma_start3A_1039 = arith.constant 0 : i32
    %dma_start3A_1040 = tpu.memref_slice %arg10[%dma_start3A_1037, %dma_start3A_1038, %dma_start3A_1039] : memref<6x32x512xf32, #tpu.memory_space<vmem>> -> memref<1x32x512xf32, #tpu.memory_space<vmem>>
    %dma_start3A_1041 = tpu.memref_squeeze %dma_start3A_1040 : memref<1x32x512xf32, #tpu.memory_space<vmem>> -> memref<32x512xf32, #tpu.memory_space<vmem>>
    %dma_start3A_1042 = arith.constant 0 : i32
    %dma_start3A_1043 = tpu.memref_slice %arg5[%add3A_1036, %dma_start3A_1042] : memref<8192x512xf32, #tpu.memory_space<hbm>> -> memref<32x512xf32, #tpu.memory_space<hbm>>
    %dma_start3A_1044 = arith.constant 0 : i32
    %dma_start3A_1045 = tpu.memref_slice %arg5[%add3A_1036, %dma_start3A_1044] : memref<8192x512xf32, #tpu.memory_space<hbm>> -> memref<32x512xf32, #tpu.memory_space<hbm>>
    %dma_start3A_1046 = arith.constant 0 : i32
    %dma_start3A_1047 = arith.constant 0 : i32
    %dma_start3A_1048 = tpu.memref_slice %arg10[%dma_start3A_1037, %dma_start3A_1046, %dma_start3A_1047] : memref<6x32x512xf32, #tpu.memory_space<vmem>> -> memref<1x32x512xf32, #tpu.memory_space<vmem>>
    %dma_start3A_1049 = tpu.memref_squeeze %dma_start3A_1048 : memref<1x32x512xf32, #tpu.memory_space<vmem>> -> memref<32x512xf32, #tpu.memory_space<vmem>>
    tpu.enqueue_dma source(%dma_start3A_1049 : memref<32x512xf32, #tpu.memory_space<vmem>>) target(%dma_start3A_1045 : memref<32x512xf32, #tpu.memory_space<hbm>>) target_semaphore(%arg18 : memref<!tpu.dma_semaphore, #tpu.memory_space<semaphore_mem>>)
    %dma_wait3A_1050 = arith.constant 0 : i32
    %dma_wait3A_1051 = arith.constant 0 : i32
    %dma_wait3A_1052 = arith.constant 0 : i32
    %dma_wait3A_1053 = tpu.memref_slice %arg10[%dma_wait3A_1050, %dma_wait3A_1051, %dma_wait3A_1052] : memref<6x32x512xf32, #tpu.memory_space<vmem>> -> memref<1x32x512xf32, #tpu.memory_space<vmem>>
    %dma_wait3A_1054 = tpu.memref_squeeze %dma_wait3A_1053 : memref<1x32x512xf32, #tpu.memory_space<vmem>> -> memref<32x512xf32, #tpu.memory_space<vmem>>
    %dma_wait3A_1055 = arith.constant 0 : i32
    %dma_wait3A_1056 = tpu.memref_slice %arg5[%add3A_1009, %dma_wait3A_1055] : memref<8192x512xf32, #tpu.memory_space<hbm>> -> memref<32x512xf32, #tpu.memory_space<hbm>>
    %dma_wait3A_1057 = arith.constant 0 : i32
    %dma_wait3A_1058 = tpu.memref_slice %arg5[%add3A_1009, %dma_wait3A_1057] : memref<8192x512xf32, #tpu.memory_space<hbm>> -> memref<32x512xf32, #tpu.memory_space<hbm>>
    %dma_wait3A_1059 = arith.constant 0 : i32
    %dma_wait3A_1060 = arith.constant 0 : i32
    %dma_wait3A_1061 = tpu.memref_slice %arg10[%dma_wait3A_1050, %dma_wait3A_1059, %dma_wait3A_1060] : memref<6x32x512xf32, #tpu.memory_space<vmem>> -> memref<1x32x512xf32, #tpu.memory_space<vmem>>
    %dma_wait3A_1062 = tpu.memref_squeeze %dma_wait3A_1061 : memref<1x32x512xf32, #tpu.memory_space<vmem>> -> memref<32x512xf32, #tpu.memory_space<vmem>>
    tpu.wait_dma2 semaphore(%arg17 : memref<!tpu.dma_semaphore, #tpu.memory_space<semaphore_mem>>) src(%dma_wait3A_1062 : memref<32x512xf32, #tpu.memory_space<vmem>>) dst(%dma_wait3A_1058 : memref<32x512xf32, #tpu.memory_space<hbm>>)
    %dma_wait3A_1063 = arith.constant 1 : i32
    %dma_wait3A_1064 = arith.constant 0 : i32
    %dma_wait3A_1065 = arith.constant 0 : i32
    %dma_wait3A_1066 = tpu.memref_slice %arg10[%dma_wait3A_1063, %dma_wait3A_1064, %dma_wait3A_1065] : memref<6x32x512xf32, #tpu.memory_space<vmem>> -> memref<1x32x512xf32, #tpu.memory_space<vmem>>
    %dma_wait3A_1067 = tpu.memref_squeeze %dma_wait3A_1066 : memref<1x32x512xf32, #tpu.memory_space<vmem>> -> memref<32x512xf32, #tpu.memory_space<vmem>>
    %dma_wait3A_1068 = arith.constant 0 : i32
    %dma_wait3A_1069 = tpu.memref_slice %arg5[%add3A_1036, %dma_wait3A_1068] : memref<8192x512xf32, #tpu.memory_space<hbm>> -> memref<32x512xf32, #tpu.memory_space<hbm>>
    %dma_wait3A_1070 = arith.constant 0 : i32
    %dma_wait3A_1071 = tpu.memref_slice %arg5[%add3A_1036, %dma_wait3A_1070] : memref<8192x512xf32, #tpu.memory_space<hbm>> -> memref<32x512xf32, #tpu.memory_space<hbm>>
    %dma_wait3A_1072 = arith.constant 0 : i32
    %dma_wait3A_1073 = arith.constant 0 : i32
    %dma_wait3A_1074 = tpu.memref_slice %arg10[%dma_wait3A_1063, %dma_wait3A_1072, %dma_wait3A_1073] : memref<6x32x512xf32, #tpu.memory_space<vmem>> -> memref<1x32x512xf32, #tpu.memory_space<vmem>>
    %dma_wait3A_1075 = tpu.memref_squeeze %dma_wait3A_1074 : memref<1x32x512xf32, #tpu.memory_space<vmem>> -> memref<32x512xf32, #tpu.memory_space<vmem>>
    tpu.wait_dma2 semaphore(%arg18 : memref<!tpu.dma_semaphore, #tpu.memory_space<semaphore_mem>>) src(%dma_wait3A_1075 : memref<32x512xf32, #tpu.memory_space<vmem>>) dst(%dma_wait3A_1071 : memref<32x512xf32, #tpu.memory_space<hbm>>)
    %dma_wait3A_1076 = arith.constant 2 : i32
    %dma_wait3A_1077 = arith.constant 0 : i32
    %dma_wait3A_1078 = arith.constant 0 : i32
    %dma_wait3A_1079 = tpu.memref_slice %arg10[%dma_wait3A_1076, %dma_wait3A_1077, %dma_wait3A_1078] : memref<6x32x512xf32, #tpu.memory_space<vmem>> -> memref<1x32x512xf32, #tpu.memory_space<vmem>>
    %dma_wait3A_1080 = tpu.memref_squeeze %dma_wait3A_1079 : memref<1x32x512xf32, #tpu.memory_space<vmem>> -> memref<32x512xf32, #tpu.memory_space<vmem>>
    %dma_wait3A_1081 = arith.constant 0 : i32
    %dma_wait3A_1082 = tpu.memref_slice %arg5[%add3A_876, %dma_wait3A_1081] : memref<8192x512xf32, #tpu.memory_space<hbm>> -> memref<32x512xf32, #tpu.memory_space<hbm>>
    %dma_wait3A_1083 = arith.constant 0 : i32
    %dma_wait3A_1084 = tpu.memref_slice %arg5[%add3A_876, %dma_wait3A_1083] : memref<8192x512xf32, #tpu.memory_space<hbm>> -> memref<32x512xf32, #tpu.memory_space<hbm>>
    %dma_wait3A_1085 = arith.constant 0 : i32
    %dma_wait3A_1086 = arith.constant 0 : i32
    %dma_wait3A_1087 = tpu.memref_slice %arg10[%dma_wait3A_1076, %dma_wait3A_1085, %dma_wait3A_1086] : memref<6x32x512xf32, #tpu.memory_space<vmem>> -> memref<1x32x512xf32, #tpu.memory_space<vmem>>
    %dma_wait3A_1088 = tpu.memref_squeeze %dma_wait3A_1087 : memref<1x32x512xf32, #tpu.memory_space<vmem>> -> memref<32x512xf32, #tpu.memory_space<vmem>>
    tpu.wait_dma2 semaphore(%arg19 : memref<!tpu.dma_semaphore, #tpu.memory_space<semaphore_mem>>) src(%dma_wait3A_1088 : memref<32x512xf32, #tpu.memory_space<vmem>>) dst(%dma_wait3A_1084 : memref<32x512xf32, #tpu.memory_space<hbm>>)
    %dma_wait3A_1089 = arith.constant 3 : i32
    %dma_wait3A_1090 = arith.constant 0 : i32
    %dma_wait3A_1091 = arith.constant 0 : i32
    %dma_wait3A_1092 = tpu.memref_slice %arg10[%dma_wait3A_1089, %dma_wait3A_1090, %dma_wait3A_1091] : memref<6x32x512xf32, #tpu.memory_space<vmem>> -> memref<1x32x512xf32, #tpu.memory_space<vmem>>
    %dma_wait3A_1093 = tpu.memref_squeeze %dma_wait3A_1092 : memref<1x32x512xf32, #tpu.memory_space<vmem>> -> memref<32x512xf32, #tpu.memory_space<vmem>>
    %dma_wait3A_1094 = arith.constant 0 : i32
    %dma_wait3A_1095 = tpu.memref_slice %arg5[%add3A_928, %dma_wait3A_1094] : memref<8192x512xf32, #tpu.memory_space<hbm>> -> memref<32x512xf32, #tpu.memory_space<hbm>>
    %dma_wait3A_1096 = arith.constant 0 : i32
    %dma_wait3A_1097 = tpu.memref_slice %arg5[%add3A_928, %dma_wait3A_1096] : memref<8192x512xf32, #tpu.memory_space<hbm>> -> memref<32x512xf32, #tpu.memory_space<hbm>>
    %dma_wait3A_1098 = arith.constant 0 : i32
    %dma_wait3A_1099 = arith.constant 0 : i32
    %dma_wait3A_1100 = tpu.memref_slice %arg10[%dma_wait3A_1089, %dma_wait3A_1098, %dma_wait3A_1099] : memref<6x32x512xf32, #tpu.memory_space<vmem>> -> memref<1x32x512xf32, #tpu.memory_space<vmem>>
    %dma_wait3A_1101 = tpu.memref_squeeze %dma_wait3A_1100 : memref<1x32x512xf32, #tpu.memory_space<vmem>> -> memref<32x512xf32, #tpu.memory_space<vmem>>
    tpu.wait_dma2 semaphore(%arg20 : memref<!tpu.dma_semaphore, #tpu.memory_space<semaphore_mem>>) src(%dma_wait3A_1101 : memref<32x512xf32, #tpu.memory_space<vmem>>) dst(%dma_wait3A_1097 : memref<32x512xf32, #tpu.memory_space<hbm>>)
    %dma_wait3A_1102 = arith.constant 4 : i32
    %dma_wait3A_1103 = arith.constant 0 : i32
    %dma_wait3A_1104 = arith.constant 0 : i32
    %dma_wait3A_1105 = tpu.memref_slice %arg10[%dma_wait3A_1102, %dma_wait3A_1103, %dma_wait3A_1104] : memref<6x32x512xf32, #tpu.memory_space<vmem>> -> memref<1x32x512xf32, #tpu.memory_space<vmem>>
    %dma_wait3A_1106 = tpu.memref_squeeze %dma_wait3A_1105 : memref<1x32x512xf32, #tpu.memory_space<vmem>> -> memref<32x512xf32, #tpu.memory_space<vmem>>
    %dma_wait3A_1107 = arith.constant 0 : i32
    %dma_wait3A_1108 = tpu.memref_slice %arg5[%add3A_955, %dma_wait3A_1107] : memref<8192x512xf32, #tpu.memory_space<hbm>> -> memref<32x512xf32, #tpu.memory_space<hbm>>
    %dma_wait3A_1109 = arith.constant 0 : i32
    %dma_wait3A_1110 = tpu.memref_slice %arg5[%add3A_955, %dma_wait3A_1109] : memref<8192x512xf32, #tpu.memory_space<hbm>> -> memref<32x512xf32, #tpu.memory_space<hbm>>
    %dma_wait3A_1111 = arith.constant 0 : i32
    %dma_wait3A_1112 = arith.constant 0 : i32
    %dma_wait3A_1113 = tpu.memref_slice %arg10[%dma_wait3A_1102, %dma_wait3A_1111, %dma_wait3A_1112] : memref<6x32x512xf32, #tpu.memory_space<vmem>> -> memref<1x32x512xf32, #tpu.memory_space<vmem>>
    %dma_wait3A_1114 = tpu.memref_squeeze %dma_wait3A_1113 : memref<1x32x512xf32, #tpu.memory_space<vmem>> -> memref<32x512xf32, #tpu.memory_space<vmem>>
    tpu.wait_dma2 semaphore(%arg21 : memref<!tpu.dma_semaphore, #tpu.memory_space<semaphore_mem>>) src(%dma_wait3A_1114 : memref<32x512xf32, #tpu.memory_space<vmem>>) dst(%dma_wait3A_1110 : memref<32x512xf32, #tpu.memory_space<hbm>>)
    %dma_wait3A_1115 = arith.constant 5 : i32
    %dma_wait3A_1116 = arith.constant 0 : i32
    %dma_wait3A_1117 = arith.constant 0 : i32
    %dma_wait3A_1118 = tpu.memref_slice %arg10[%dma_wait3A_1115, %dma_wait3A_1116, %dma_wait3A_1117] : memref<6x32x512xf32, #tpu.memory_space<vmem>> -> memref<1x32x512xf32, #tpu.memory_space<vmem>>
    %dma_wait3A_1119 = tpu.memref_squeeze %dma_wait3A_1118 : memref<1x32x512xf32, #tpu.memory_space<vmem>> -> memref<32x512xf32, #tpu.memory_space<vmem>>
    %dma_wait3A_1120 = arith.constant 0 : i32
    %dma_wait3A_1121 = tpu.memref_slice %arg5[%add3A_982, %dma_wait3A_1120] : memref<8192x512xf32, #tpu.memory_space<hbm>> -> memref<32x512xf32, #tpu.memory_space<hbm>>
    %dma_wait3A_1122 = arith.constant 0 : i32
    %dma_wait3A_1123 = tpu.memref_slice %arg5[%add3A_982, %dma_wait3A_1122] : memref<8192x512xf32, #tpu.memory_space<hbm>> -> memref<32x512xf32, #tpu.memory_space<hbm>>
    %dma_wait3A_1124 = arith.constant 0 : i32
    %dma_wait3A_1125 = arith.constant 0 : i32
    %dma_wait3A_1126 = tpu.memref_slice %arg10[%dma_wait3A_1115, %dma_wait3A_1124, %dma_wait3A_1125] : memref<6x32x512xf32, #tpu.memory_space<vmem>> -> memref<1x32x512xf32, #tpu.memory_space<vmem>>
    %dma_wait3A_1127 = tpu.memref_squeeze %dma_wait3A_1126 : memref<1x32x512xf32, #tpu.memory_space<vmem>> -> memref<32x512xf32, #tpu.memory_space<vmem>>
    tpu.wait_dma2 semaphore(%arg22 : memref<!tpu.dma_semaphore, #tpu.memory_space<semaphore_mem>>) src(%dma_wait3A_1127 : memref<32x512xf32, #tpu.memory_space<vmem>>) dst(%dma_wait3A_1123 : memref<32x512xf32, #tpu.memory_space<hbm>>)
    return
  }
}

module attributes {stable_mosaic.version = 14 : i64} {
  func.func @_table_body(%arg0: i32, %arg1: memref<1024x512xf32, #tpu.memory_space<vmem>>, %arg2: memref<512x512xf32, #tpu.memory_space<vmem>>, %arg3: memref<1x512xf32, #tpu.memory_space<vmem>>, %arg4: memref<512x1024xf32, #tpu.memory_space<vmem>>, %arg5: memref<1x1024xf32, #tpu.memory_space<vmem>>, %arg6: memref<1024x512xf32, #tpu.memory_space<vmem>>, %arg7: memref<1x512xf32, #tpu.memory_space<vmem>>, %arg8: memref<512x512xf32, #tpu.memory_space<vmem>>, %arg9: memref<1x512xf32, #tpu.memory_space<vmem>>, %arg10: memref<1024x512xf32, #tpu.memory_space<vmem>>, %arg11: memref<512x1024xbf16, #tpu.memory_space<vmem>>, %arg12: memref<1x1024xf32, #tpu.memory_space<vmem>>, %arg13: memref<1024x512xbf16, #tpu.memory_space<vmem>>, %arg14: memref<1x512xf32, #tpu.memory_space<vmem>>, %arg15: memref<1x512xf32, #tpu.memory_space<vmem>>) attributes {dimension_semantics = [#tpu.dimension_semantics<arbitrary>], iteration_bounds = array<i64: 9>, scalar_prefetch = 0 : i64, scratch_operands = 5 : i64, tpu.core_type = #tpu.core_type<tc>, window_params = [{transform_indices = @transform_0, window_bounds = array<i64: 1024, 512>}, {pipeline_mode = #tpu.pipeline_mode<synchronous>, transform_indices = @transform_1, window_bounds = array<i64: 512, 512>}, {pipeline_mode = #tpu.pipeline_mode<synchronous>, transform_indices = @transform_2, window_bounds = array<i64: 1, 512>}, {pipeline_mode = #tpu.pipeline_mode<synchronous>, transform_indices = @transform_3, window_bounds = array<i64: 512, 1024>}, {pipeline_mode = #tpu.pipeline_mode<synchronous>, transform_indices = @transform_4, window_bounds = array<i64: 1, 1024>}, {pipeline_mode = #tpu.pipeline_mode<synchronous>, transform_indices = @transform_5, window_bounds = array<i64: 1024, 512>}, {pipeline_mode = #tpu.pipeline_mode<synchronous>, transform_indices = @transform_6, window_bounds = array<i64: 1, 512>}, {pipeline_mode = #tpu.pipeline_mode<synchronous>, transform_indices = @transform_7, window_bounds = array<i64: 512, 512>}, {pipeline_mode = #tpu.pipeline_mode<synchronous>, transform_indices = @transform_8, window_bounds = array<i64: 1, 512>}, {transform_indices = @transform_9, window_bounds = array<i64: 1024, 512>}]} {
    %eq3A = arith.constant 0 : i32
    %eq3A_0 = arith.cmpi eq, %arg0, %eq3A : i32
    %convert_element_type3A = arith.extui %eq3A_0 : i1 to i32
    %cond3A = arith.constant 0 : i32
    %cond3A_1 = arith.cmpi ne, %convert_element_type3A, %cond3A : i32
    scf.if %cond3A_1 {
      %get3A = arith.constant 0 : index
      %get3A_10 = arith.constant 0 : index
      %get3A_11 = vector.load %arg2[%get3A, %get3A_10] : memref<512x512xf32, #tpu.memory_space<vmem>>, vector<512x512xf32>
      %get3A_12 = arith.constant 0 : index
      %get3A_13 = arith.constant 0 : index
      %get3A_14 = vector.load %arg4[%get3A_12, %get3A_13] : memref<512x1024xf32, #tpu.memory_space<vmem>>, vector<512x1024xf32>
      %dot_general3A = arith.constant dense<0.000000e+00> : vector<512x1024xf32>
      %dot_general3A_15 = tpu.matmul %get3A_11, %get3A_14, %dot_general3A {dimension_numbers = #tpu.dot_dimension_numbers<[1], [0], [0], [1], [0, 0, 1, 1], [], []>, transpose_lhs_hint = false} : vector<512x512xf32>, vector<512x1024xf32>, vector<512x1024xf32> -> vector<512x1024xf32>
      %convert_element_type3A_16 = arith.truncf %dot_general3A_15 : vector<512x1024xf32> to vector<512x1024xbf16>
      %swap3A = arith.constant 0 : index
      %swap3A_17 = arith.constant 0 : index
      %swap3A_18 = vector.load %arg11[%swap3A, %swap3A_17] : memref<512x1024xbf16, #tpu.memory_space<vmem>>, vector<512x1024xbf16>
      tpu.vector_store %arg11[%swap3A, %swap3A_17], %convert_element_type3A_16 {strides = array<i32>} : memref<512x1024xbf16, #tpu.memory_space<vmem>>, vector<512x1024xbf16>,
      %get3A_19 = arith.constant 0 : index
      %get3A_20 = arith.constant 0 : index
      %get3A_21 = vector.load %arg3[%get3A_19, %get3A_20] : memref<1x512xf32, #tpu.memory_space<vmem>>, vector<1x512xf32>
      %get3A_22 = arith.constant 0 : index
      %get3A_23 = arith.constant 0 : index
      %get3A_24 = vector.load %arg4[%get3A_22, %get3A_23] : memref<512x1024xf32, #tpu.memory_space<vmem>>, vector<512x1024xf32>
      %dot_general3A_25 = arith.constant dense<0.000000e+00> : vector<1x1024xf32>
      %dot_general3A_26 = tpu.matmul %get3A_21, %get3A_24, %dot_general3A_25 {dimension_numbers = #tpu.dot_dimension_numbers<[1], [0], [0], [1], [0, 0, 1, 1], [], []>, transpose_lhs_hint = false} : vector<1x512xf32>, vector<512x1024xf32>, vector<1x1024xf32> -> vector<1x1024xf32>
      %get3A_27 = arith.constant 0 : index
      %get3A_28 = arith.constant 0 : index
      %get3A_29 = vector.load %arg5[%get3A_27, %get3A_28] : memref<1x1024xf32, #tpu.memory_space<vmem>>, vector<1x1024xf32>
      %add3A = arith.addf %dot_general3A_26, %get3A_29 : vector<1x1024xf32>
      %swap3A_30 = arith.constant 0 : index
      %swap3A_31 = arith.constant 0 : index
      %swap3A_32 = vector.load %arg12[%swap3A_30, %swap3A_31] : memref<1x1024xf32, #tpu.memory_space<vmem>>, vector<1x1024xf32>
      tpu.vector_store %arg12[%swap3A_30, %swap3A_31], %add3A {strides = array<i32>} : memref<1x1024xf32, #tpu.memory_space<vmem>>, vector<1x1024xf32>,
      %get3A_33 = arith.constant 0 : index
      %get3A_34 = arith.constant 0 : index
      %get3A_35 = vector.load %arg6[%get3A_33, %get3A_34] : memref<1024x512xf32, #tpu.memory_space<vmem>>, vector<1024x512xf32>
      %get3A_36 = arith.constant 0 : index
      %get3A_37 = arith.constant 0 : index
      %get3A_38 = vector.load %arg8[%get3A_36, %get3A_37] : memref<512x512xf32, #tpu.memory_space<vmem>>, vector<512x512xf32>
      %dot_general3A_39 = arith.constant dense<0.000000e+00> : vector<1024x512xf32>
      %dot_general3A_40 = tpu.matmul %get3A_35, %get3A_38, %dot_general3A_39 {dimension_numbers = #tpu.dot_dimension_numbers<[1], [0], [0], [1], [0, 0, 1, 1], [], []>, transpose_lhs_hint = false} : vector<1024x512xf32>, vector<512x512xf32>, vector<1024x512xf32> -> vector<1024x512xf32>
      %mul3A = arith.constant 5.000000e-01 : f32
      %mul3A_41 = vector.broadcast %mul3A : f32 to vector<1024x512xf32>
      %mul3A_42 = arith.mulf %mul3A_41, %dot_general3A_40 : vector<1024x512xf32>
      %convert_element_type3A_43 = arith.truncf %mul3A_42 : vector<1024x512xf32> to vector<1024x512xbf16>
      %swap3A_44 = arith.constant 0 : index
      %swap3A_45 = arith.constant 0 : index
      %swap3A_46 = vector.load %arg13[%swap3A_44, %swap3A_45] : memref<1024x512xbf16, #tpu.memory_space<vmem>>, vector<1024x512xbf16>
      tpu.vector_store %arg13[%swap3A_44, %swap3A_45], %convert_element_type3A_43 {strides = array<i32>} : memref<1024x512xbf16, #tpu.memory_space<vmem>>, vector<1024x512xbf16>,
      %get3A_47 = arith.constant 0 : index
      %get3A_48 = arith.constant 0 : index
      %get3A_49 = vector.load %arg7[%get3A_47, %get3A_48] : memref<1x512xf32, #tpu.memory_space<vmem>>, vector<1x512xf32>
      %get3A_50 = arith.constant 0 : index
      %get3A_51 = arith.constant 0 : index
      %get3A_52 = vector.load %arg8[%get3A_50, %get3A_51] : memref<512x512xf32, #tpu.memory_space<vmem>>, vector<512x512xf32>
      %dot_general3A_53 = arith.constant dense<0.000000e+00> : vector<1x512xf32>
      %dot_general3A_54 = tpu.matmul %get3A_49, %get3A_52, %dot_general3A_53 {dimension_numbers = #tpu.dot_dimension_numbers<[1], [0], [0], [1], [0, 0, 1, 1], [], []>, transpose_lhs_hint = false} : vector<1x512xf32>, vector<512x512xf32>, vector<1x512xf32> -> vector<1x512xf32>
      %get3A_55 = arith.constant 0 : index
      %get3A_56 = arith.constant 0 : index
      %get3A_57 = vector.load %arg9[%get3A_55, %get3A_56] : memref<1x512xf32, #tpu.memory_space<vmem>>, vector<1x512xf32>
      %add3A_58 = arith.addf %dot_general3A_54, %get3A_57 : vector<1x512xf32>
      %swap3A_59 = arith.constant 0 : index
      %swap3A_60 = arith.constant 0 : index
      %swap3A_61 = vector.load %arg14[%swap3A_59, %swap3A_60] : memref<1x512xf32, #tpu.memory_space<vmem>>, vector<1x512xf32>
      tpu.vector_store %arg14[%swap3A_59, %swap3A_60], %add3A_58 {strides = array<i32>} : memref<1x512xf32, #tpu.memory_space<vmem>>, vector<1x512xf32>,
      %get3A_62 = arith.constant 0 : index
      %get3A_63 = arith.constant 0 : index
      %get3A_64 = vector.load %arg5[%get3A_62, %get3A_63] : memref<1x1024xf32, #tpu.memory_space<vmem>>, vector<1x1024xf32>
      %mul3A_65 = arith.mulf %get3A_64, %get3A_64 : vector<1x1024xf32>
      %mul3A_66 = arith.constant 0.0356774069 : f32
      %mul3A_67 = vector.broadcast %mul3A_66 : f32 to vector<1x1024xf32>
      %mul3A_68 = arith.mulf %mul3A_67, %mul3A_65 : vector<1x1024xf32>
      %add3A_69 = arith.constant 0.797884583 : f32
      %add3A_70 = vector.broadcast %add3A_69 : f32 to vector<1x1024xf32>
      %add3A_71 = arith.addf %add3A_70, %mul3A_68 : vector<1x1024xf32>
      %mul3A_72 = arith.mulf %get3A_64, %add3A_71 : vector<1x1024xf32>
      %tanh3A = math.tanh %mul3A_72 : vector<1x1024xf32>
      %add3A_73 = arith.constant 1.000000e+00 : f32
      %add3A_74 = vector.broadcast %add3A_73 : f32 to vector<1x1024xf32>
      %add3A_75 = arith.addf %add3A_74, %tanh3A : vector<1x1024xf32>
      %mul3A_76 = arith.mulf %get3A_64, %add3A_75 : vector<1x1024xf32>
      %convert_element_type3A_77 = arith.truncf %mul3A_76 : vector<1x1024xf32> to vector<1x1024xbf16>
      %get3A_78 = arith.constant 0 : index
      %get3A_79 = arith.constant 0 : index
      %get3A_80 = vector.load %arg13[%get3A_78, %get3A_79] : memref<1024x512xbf16, #tpu.memory_space<vmem>>, vector<1024x512xbf16>
      %dot_general3A_81 = arith.constant dense<0.000000e+00> : vector<1x512xf32>
      %dot_general3A_82 = tpu.matmul %convert_element_type3A_77, %get3A_80, %dot_general3A_81 {dimension_numbers = #tpu.dot_dimension_numbers<[1], [0], [0], [1], [0, 0, 1, 1], [], []>, transpose_lhs_hint = false} : vector<1x1024xbf16>, vector<1024x512xbf16>, vector<1x512xf32> -> vector<1x512xf32>
      %get3A_83 = arith.constant 0 : index
      %get3A_84 = arith.constant 0 : index
      %get3A_85 = vector.load %arg14[%get3A_83, %get3A_84] : memref<1x512xf32, #tpu.memory_space<vmem>>, vector<1x512xf32>
      %add3A_86 = arith.addf %dot_general3A_82, %get3A_85 : vector<1x512xf32>
      %swap3A_87 = arith.constant 0 : index
      %swap3A_88 = arith.constant 0 : index
      %swap3A_89 = vector.load %arg15[%swap3A_87, %swap3A_88] : memref<1x512xf32, #tpu.memory_space<vmem>>, vector<1x512xf32>
      tpu.vector_store %arg15[%swap3A_87, %swap3A_88], %add3A_86 {strides = array<i32>} : memref<1x512xf32, #tpu.memory_space<vmem>>, vector<1x512xf32>,
    } else {
    }
    %lt3A = arith.constant 8 : i32
    %lt3A_2 = arith.cmpi slt, %arg0, %lt3A : i32
    %convert_element_type3A_3 = arith.extui %lt3A_2 : i1 to i32
    %cond3A_4 = arith.constant 0 : i32
    %cond3A_5 = arith.cmpi ne, %convert_element_type3A_3, %cond3A_4 : i32
    scf.if %cond3A_5 {
      %get3A = arith.constant 0 : index
      %get3A_10 = arith.constant 0 : index
      %get3A_11 = vector.load %arg1[%get3A, %get3A_10] : memref<1024x512xf32, #tpu.memory_space<vmem>>, vector<1024x512xf32>
      %convert_element_type3A_12 = arith.truncf %get3A_11 : vector<1024x512xf32> to vector<1024x512xbf16>
      %get3A_13 = arith.constant 0 : index
      %get3A_14 = arith.constant 0 : index
      %get3A_15 = vector.load %arg11[%get3A_13, %get3A_14] : memref<512x1024xbf16, #tpu.memory_space<vmem>>, vector<512x1024xbf16>
      %dot_general3A = arith.constant dense<0.000000e+00> : vector<1024x1024xf32>
      %dot_general3A_16 = tpu.matmul %convert_element_type3A_12, %get3A_15, %dot_general3A {dimension_numbers = #tpu.dot_dimension_numbers<[1], [0], [0], [1], [0, 0, 1, 1], [], []>, transpose_lhs_hint = false} : vector<1024x512xbf16>, vector<512x1024xbf16>, vector<1024x1024xf32> -> vector<1024x1024xf32>
      %get3A_17 = arith.constant 0 : index
      %get3A_18 = arith.constant 0 : index
      %get3A_19 = vector.load %arg12[%get3A_17, %get3A_18] : memref<1x1024xf32, #tpu.memory_space<vmem>>, vector<1x1024xf32>
      %add3A = vector.broadcast %get3A_19 : vector<1x1024xf32> to vector<1024x1024xf32>
      %add3A_20 = arith.addf %dot_general3A_16, %add3A : vector<1024x1024xf32>
      %mul3A = arith.mulf %add3A_20, %add3A_20 : vector<1024x1024xf32>
      %mul3A_21 = arith.constant 0.0356774069 : f32
      %mul3A_22 = vector.broadcast %mul3A_21 : f32 to vector<1024x1024xf32>
      %mul3A_23 = arith.mulf %mul3A_22, %mul3A : vector<1024x1024xf32>
      %add3A_24 = arith.constant 0.797884583 : f32
      %add3A_25 = vector.broadcast %add3A_24 : f32 to vector<1024x1024xf32>
      %add3A_26 = arith.addf %add3A_25, %mul3A_23 : vector<1024x1024xf32>
      %mul3A_27 = arith.mulf %add3A_20, %add3A_26 : vector<1024x1024xf32>
      %tanh3A = math.tanh %mul3A_27 : vector<1024x1024xf32>
      %add3A_28 = arith.constant 1.000000e+00 : f32
      %add3A_29 = vector.broadcast %add3A_28 : f32 to vector<1024x1024xf32>
      %add3A_30 = arith.addf %add3A_29, %tanh3A : vector<1024x1024xf32>
      %mul3A_31 = arith.mulf %add3A_20, %add3A_30 : vector<1024x1024xf32>
      %convert_element_type3A_32 = arith.truncf %mul3A_31 : vector<1024x1024xf32> to vector<1024x1024xbf16>
      %get3A_33 = arith.constant 0 : index
      %get3A_34 = arith.constant 0 : index
      %get3A_35 = vector.load %arg13[%get3A_33, %get3A_34] : memref<1024x512xbf16, #tpu.memory_space<vmem>>, vector<1024x512xbf16>
      %dot_general3A_36 = arith.constant dense<0.000000e+00> : vector<1024x512xf32>
      %dot_general3A_37 = tpu.matmul %convert_element_type3A_32, %get3A_35, %dot_general3A_36 {dimension_numbers = #tpu.dot_dimension_numbers<[1], [0], [0], [1], [0, 0, 1, 1], [], []>, transpose_lhs_hint = false} : vector<1024x1024xbf16>, vector<1024x512xbf16>, vector<1024x512xf32> -> vector<1024x512xf32>
      %get3A_38 = arith.constant 0 : index
      %get3A_39 = arith.constant 0 : index
      %get3A_40 = vector.load %arg14[%get3A_38, %get3A_39] : memref<1x512xf32, #tpu.memory_space<vmem>>, vector<1x512xf32>
      %add3A_41 = vector.broadcast %get3A_40 : vector<1x512xf32> to vector<1024x512xf32>
      %add3A_42 = arith.addf %dot_general3A_37, %add3A_41 : vector<1024x512xf32>
      %swap3A = arith.constant 0 : index
      %swap3A_43 = arith.constant 0 : index
      %swap3A_44 = vector.load %arg10[%swap3A, %swap3A_43] : memref<1024x512xf32, #tpu.memory_space<vmem>>, vector<1024x512xf32>
      tpu.vector_store %arg10[%swap3A, %swap3A_43], %add3A_42 {strides = array<i32>} : memref<1024x512xf32, #tpu.memory_space<vmem>>, vector<1024x512xf32>,
    } else {
    }
    %ge3A = arith.constant 8 : i32
    %ge3A_6 = arith.cmpi sge, %arg0, %ge3A : i32
    %convert_element_type3A_7 = arith.extui %ge3A_6 : i1 to i32
    %cond3A_8 = arith.constant 0 : i32
    %cond3A_9 = arith.cmpi ne, %convert_element_type3A_7, %cond3A_8 : i32
    scf.if %cond3A_9 {
      %get3A = arith.constant 0 : index
      %get3A_10 = arith.constant 0 : index
      %get3A_11 = vector.load %arg15[%get3A, %get3A_10] : memref<1x512xf32, #tpu.memory_space<vmem>>, vector<1x512xf32>
      %broadcast_in_dim3A = vector.shape_cast %get3A_11 : vector<1x512xf32> to vector<1x512xf32>
      %broadcast_in_dim3A_12 = vector.broadcast %broadcast_in_dim3A : vector<1x512xf32> to vector<1024x512xf32>
      %swap3A = arith.constant 0 : index
      %swap3A_13 = arith.constant 0 : index
      %swap3A_14 = vector.load %arg10[%swap3A, %swap3A_13] : memref<1024x512xf32, #tpu.memory_space<vmem>>, vector<1024x512xf32>
      tpu.vector_store %arg10[%swap3A, %swap3A_13], %broadcast_in_dim3A_12 {strides = array<i32>} : memref<1024x512xf32, #tpu.memory_space<vmem>>, vector<1024x512xf32>,
    } else {
    }
    return
  }
  func.func @transform_0(%arg0: i32) -> (i32, i32) {
    %min3A = arith.constant 7 : i32
    %min3A_0 = arith.minsi %arg0, %min3A : i32
    %c0_i32 = arith.constant 0 : i32
    %c0_i32_1 = arith.constant 0 : i32
    return %min3A_0, %c0_i32 : i32, i32
  }
  func.func @transform_1(%arg0: i32) -> (i32, i32) {
    %c0_i32 = arith.constant 0 : i32
    %c0_i32_0 = arith.constant 0 : i32
    %c0_i32_1 = arith.constant 0 : i32
    return %c0_i32, %c0_i32_0 : i32, i32
  }
  func.func @transform_2(%arg0: i32) -> (i32, i32) {
    %c0_i32 = arith.constant 0 : i32
    %c0_i32_0 = arith.constant 0 : i32
    %c0_i32_1 = arith.constant 0 : i32
    return %c0_i32, %c0_i32_0 : i32, i32
  }
  func.func @transform_3(%arg0: i32) -> (i32, i32) {
    %c0_i32 = arith.constant 0 : i32
    %c0_i32_0 = arith.constant 0 : i32
    %c0_i32_1 = arith.constant 0 : i32
    return %c0_i32, %c0_i32_0 : i32, i32
  }
  func.func @transform_4(%arg0: i32) -> (i32, i32) {
    %c0_i32 = arith.constant 0 : i32
    %c0_i32_0 = arith.constant 0 : i32
    %c0_i32_1 = arith.constant 0 : i32
    return %c0_i32, %c0_i32_0 : i32, i32
  }
  func.func @transform_5(%arg0: i32) -> (i32, i32) {
    %c0_i32 = arith.constant 0 : i32
    %c0_i32_0 = arith.constant 0 : i32
    %c0_i32_1 = arith.constant 0 : i32
    return %c0_i32, %c0_i32_0 : i32, i32
  }
  func.func @transform_6(%arg0: i32) -> (i32, i32) {
    %c0_i32 = arith.constant 0 : i32
    %c0_i32_0 = arith.constant 0 : i32
    %c0_i32_1 = arith.constant 0 : i32
    return %c0_i32, %c0_i32_0 : i32, i32
  }
  func.func @transform_7(%arg0: i32) -> (i32, i32) {
    %c0_i32 = arith.constant 0 : i32
    %c0_i32_0 = arith.constant 0 : i32
    %c0_i32_1 = arith.constant 0 : i32
    return %c0_i32, %c0_i32_0 : i32, i32
  }
  func.func @transform_8(%arg0: i32) -> (i32, i32) {
    %c0_i32 = arith.constant 0 : i32
    %c0_i32_0 = arith.constant 0 : i32
    %c0_i32_1 = arith.constant 0 : i32
    return %c0_i32, %c0_i32_0 : i32, i32
  }
  func.func @transform_9(%arg0: i32) -> (i32, i32) {
    %c0_i32 = arith.constant 0 : i32
    %c0_i32_0 = arith.constant 0 : i32
    return %arg0, %c0_i32 : i32, i32
  }
}

</mosaic_0001>

<sc_bundles>
// kernel: kernel.4.cloned.1.call-start
scs
__scs_entry_jumppad:
0x0: {  	(pc) =	sbr.rel $0x88, $3  }
0x1: {  	(tag) =	ssettag $0x0;
	lr =	simm.s32 $0x1  }
0x2: {  	[smem:$0x3F96] =	sst lr;
	_ =	strace $0xD0000000  }
0x3: {  	_ = 	snop  }
0x4: {  	_ = 	snop  }
0x5: {  	_ = 	snop  }
0x6: {  	_ = 	snop  }
0x7: {  	_ = 	snop  }
__scs_overlays_trampoline_lowered:
0x8: {  	[smem:$0x3FA5] =	sst s0  }
0x9: {  	[smem:$0x3FA6] =	sst s1  }
0xa: {  	[smem:$0x3FA7] =	sst s2  }
0xb: {  	[smem:$0x3FA8] =	sst s3  }
0xc: {  	[smem:$0x3FA9] =	sst s4  }
0xd: {  	[smem:$0x3FAA] =	sst s5  }
0xe: {  	[smem:$0x3FAB] =	sst s6  }
0xf: {  	[smem:$0x3FAC] =	sst s7  }
0x10: {  	[smem:$0x3FAD] =	sst s8  }
0x11: {  	[smem:$0x3FAE] =	sst s9;
	s0 =	simm.s32 @!p0 $0x0  }
0x12: {  	s1 =	sld [smem:$0x3F94];
	s0 =	simm.s32 @p0 $0x1  }
0x13: {  	[smem:$0x3FAF] =	sst s0;
	s0 =	simm.s32 @!p1 $0x0  }
0x14: {  	s2 =	sld [smem:$0x3F93];
	s0 =	simm.s32 @p1 $0x1  }
0x15: {  	[smem:$0x3FB0] =	sst s0;
	s0 =	simm.s32 @!p2 $0x0  }
0x16: {  	s3 =	sld [smem:$0x3FDB];
	s0 =	simm.s32 @p2 $0x1  }
0x17: {  	s4 =	simm.s32 $0x1BF5;
	[smem:$0x3FB2] =	sst s0  }
0x18: {  	s0 =	sld [smem:$0x3F95];
	_ =	swait.ge [sflag:s4], $0x0  }
0x19: {  	s7 =	sld [smem:$0x3F96]  }
0x1a: {  	s8 =	sadd.s32 $0xFFFFE003, lr  }
0x1b: {  	s9 =	sadd.s32 $0xFFFFFEF7, lr;
	s5 =	simm.s32 $0xFFFFFFFF;
	p2 =	slt.u32 s8, $0xFFFFF086  }
0x1c: {  	p1 =	slt.u32 s9, $0xF7A;
	s5 =	simm.s32 @!p2 $0x0  }
0x1d: {  	s5 =	simm.s32 @p1 $0x1;
	p0 =	seq.s32 s7, s2  }
0x1e: {  	s7 =	smul.u32 @!p0 $0xF7A, s2;
	p2 =	seq.s32 @!p0 s5, $0x0  }
0x1f: {  	s9 =	smul.u32 $0xF7A, s1;
	s8 =	simm.s32 @!p0 $0x1BF5;
	p2 =	por !p2, p0  }
0x20: {  	[sflag:s8] =	ssyncset.s32 @!p0 $0xFFFFF086;
	s6 =	sadd.s32 @!p0 s3, s7;
	s7 =	simm.s32 @!p0 $0x108  }
0x21: {  	s3 =	sadd.s32 s3, s9;
	s6 =	sadd.s32 @!p0 $0x88, s6;
	s7 =	simm.s32 @p2 $0x1082  }
0x22: {  	[simem:s7], [sflag:s8] =	dma.local @!p0 [hbm:s6], $0xF7A  }
0x23: {  	s9 =	sor.u32 $0xD0000000, s2;
	s6 =	simm.s32 $0x108;
	_ =	swait.ge @!p0 [sflag:s8], $0x0  }
0x24: {  	s3 =	sadd.s32 $0x88, s3;
	s6 =	simm.s32 @!p1 $0x1082;
	[sflag:s4] =	ssyncset.s32 $0xFFFFF086  }
0x25: {  	[simem:s6], [sflag:s4] =	dma.local [hbm:s3], $0xF7A  }
0x26: {  	[smem:$0x3F96] =	sst s1;
	(tag) =	ssettag s2;
	_ =	strace s9  }
0x27: {  	s1 =	sld [smem:$0x3FA6]  }
0x28: {  	s2 =	sld [smem:$0x3FA7]  }
0x29: {  	s4 =	sld [smem:$0x3FA9]  }
0x2a: {  	p0 =	seq.s32 s5, $0x0;
	s5 =	sld [smem:$0x3FAA]  }
0x2b: {  	s6 =	sld [smem:$0x3FAB]  }
0x2c: {  	s7 =	sld [smem:$0x3FAC]  }
0x2d: {  	s3 =	simm.s32 $0x108;
	s8 =	sld [smem:$0x3FAD]  }
0x2e: {  	s3 =	simm.s32 @!p0 $0x1082;
	s9 =	sld [smem:$0x3FAE]  }
0x2f: {  	lr =	sadd.s32 s0, s3;
	s0 =	sld [smem:$0x3FA5]  }
0x30: {  	s3 =	sld [smem:$0x3FA8]  }
0x31: {  	[smem:$0x3FB1] =	sst s10  }
0x32: {  	s10 =	sld [smem:$0x3FAF];
	_ =	sdelay $0x3  }
0x33: {  	p0 =	seq.s32 s10, $0x1;
	s10 =	sld [smem:$0x3FB1];
	_ =	sdelay $0x3  }
0x34: {  	[smem:$0x3FB1] =	sst s10  }
0x35: {  	s10 =	sld [smem:$0x3FB0];
	_ =	sdelay $0x3  }
0x36: {  	p1 =	seq.s32 s10, $0x1;
	s10 =	sld [smem:$0x3FB1];
	_ =	sdelay $0x3  }
0x37: {  	[smem:$0x3FB1] =	sst s10  }
0x38: {  	s10 =	sld [smem:$0x3FB2]  }
0x39: {  	_ = 	snop;
	(pc) =	sbr.ind lr, $3  }
0x3a: {  	_ = 	snop  }
0x3b: {  	_ = 	snop  }
0x3c: {  	p2 =	seq.s32 s10, $0x1;
	s10 =	sld [smem:$0x3FB1]  }
0x3d: {  	_ =	shalt  }
0x3e: {  	_ =	shalt  }
0x3f: {  	_ =	shalt  }
0x40: {  	_ =	shalt  }
0x41: {  	_ =	shalt  }
0x42: {  	_ =	shalt  }
0x43: {  	_ =	shalt  }
0x44: {  	_ =	shalt  }
0x45: {  	_ =	shalt  }
0x46: {  	_ =	shalt  }
0x47: {  	_ =	shalt  }
0x48: {  	_ =	shalt  }
0x49: {  	_ =	shalt  }
0x4a: {  	_ =	shalt  }
0x4b: {  	_ =	shalt  }
0x4c: {  	_ =	shalt  }
0x4d: {  	_ =	shalt  }
0x4e: {  	_ =	shalt  }
0x4f: {  	_ =	shalt  }
0x50: {  	_ =	shalt  }
0x51: {  	_ =	shalt  }
0x52: {  	_ =	shalt  }
0x53: {  	_ =	shalt  }
0x54: {  	_ =	shalt  }
0x55: {  	_ =	shalt  }
0x56: {  	_ =	shalt  }
0x57: {  	_ =	shalt  }
0x58: {  	_ =	shalt  }
0x59: {  	_ =	shalt  }
0x5a: {  	_ =	shalt  }
0x5b: {  	_ =	shalt  }
0x5c: {  	_ =	shalt  }
0x5d: {  	_ =	shalt  }
0x5e: {  	_ =	shalt  }
0x5f: {  	_ =	shalt  }
0x60: {  	_ =	shalt  }
0x61: {  	_ =	shalt  }
0x62: {  	_ =	shalt  }
0x63: {  	_ =	shalt  }
0x64: {  	_ =	shalt  }
0x65: {  	_ =	shalt  }
0x66: {  	_ =	shalt  }
0x67: {  	_ =	shalt  }
0x68: {  	_ =	shalt  }
0x69: {  	_ =	shalt  }
0x6a: {  	_ =	shalt  }
0x6b: {  	_ =	shalt  }
0x6c: {  	_ =	shalt  }
0x6d: {  	_ =	shalt  }
0x6e: {  	_ =	shalt  }
0x6f: {  	_ =	shalt  }
0x70: {  	_ =	shalt  }
0x71: {  	_ =	shalt  }
0x72: {  	_ =	shalt  }
0x73: {  	_ =	shalt  }
0x74: {  	_ =	shalt  }
0x75: {  	_ =	shalt  }
0x76: {  	_ =	shalt  }
0x77: {  	_ =	shalt  }
0x78: {  	_ =	shalt  }
0x79: {  	_ =	shalt  }
0x7a: {  	_ =	shalt  }
0x7b: {  	_ =	shalt  }
0x7c: {  	_ =	shalt  }
0x7d: {  	_ =	shalt  }
0x7e: {  	_ =	shalt  }
0x7f: {  	_ =	shalt  }
0x80: {  	_ =	shalt  }
0x81: {  	_ =	shalt  }
0x82: {  	_ =	shalt  }
0x83: {  	_ =	shalt  }
0x84: {  	_ =	shalt  }
0x85: {  	_ =	shalt  }
0x86: {  	_ =	shalt  }
0x87: {  	_ =	shalt  }
.Lfunc_end0:
.L_simem_size_0:
called_computation_lowered:
.L_overlay_start_0:
0x88: {  	s2 =	sld [smem:$0x3FD9]  }
0x89: {  	s3 =	sld [smem:$0x3FFE];
	_ =	sdelay $0x1  }
0x8a: {  	s1 =	srdreg.scid  }
0x8b: {  	s0 =	sand.u32 $0x1, s1  }
0x8c: {  	s17 =	sshll.u32 s0, $0xA;
	s2 =	sadd.s32 s3, s2  }
0x8d: {  	s2 =	sadd.s32 s2, s17  }
0x8e: {  	[smem:$0x3FBD] =	sst s2  }
0x8f: {  	_ = 	snop  }
0x90: {  	s2 =	sld [smem:$0x3FC7]  }
0x91: {  	s18 =	sld [smem:$0x3FD0];
	(tm) =	ssettm $0x1  }
0x92: {  	s4 =	sld [smem:$0x3FFB];
	_ =	sdelay $0x3  }
0x93: {  	_ =	strace s4  }
0x94: {  	s4 =	sld [smem:$0x3FFC];
	_ =	sdelay $0x3  }
0x95: {  	_ =	strace s4  }
0x96: {  	s4 =	sld [smem:$0x3FFD];
	_ =	sdelay $0x3  }
0x97: {  	_ =	strace s4  }
0x98: {  	_ =	strace $0x8FFFFFFF  }
0x99: {  	s19 =	sld [smem:$0x3FDB];
	_ =	sdelay $0x1  }
0x9a: {  	s5 =	simm.s32 $_scs_section_size  }
0x9b: {  	s6 =	simm.s32 $_size__tile_overlayer_lowered;
	s7 =	simm.s32 $_tile_overlayer_lowered  }
0x9c: {  	s22 =	simm.s32 $0x1BFF;
	s21 =	sshll.u32 s7, $0x1;
	s4 =	sadd.s32 s5, s19  }
0x9d: {  	s8 =	simm.s32 $0x0;
	s20 =	sshll.u32 s6, $0x1;
	s6 =	sadd.s32 s21, s4  }
0x9e: {  	[timem:s8], [sflag:s22] =	dma.local [hbm:s6], s20  }
0x9f: {  	_ =	swait.ge [sflag:s22], s20  }
0xa0: {  	s5 =	ssub.s32 $0x0, s20;
	[sflag:s22] =	ssyncset.done $0x0  }
0xa1: {  	[sflag:s22] =	ssyncadd.s32 s5;
	_ =	sdelay $0x1  }
0xa2: {  	s23 =	simm.s32 $0x1B8B  }
0xa3: {  	_ =	swait.ge [sflag:s23], $0x1  }
0xa4: {  	[sflag:s23] =	ssyncset.done $0x0  }
0xa5: {  	s25 =	simm.s32 $0x1B8E;
	s24 =	sld [smem:$0x3FFE];
	[sflag:s23] =	ssyncadd.s32 $0xFFFFFFFF  }
0xa6: {  	s26 =	simm.s32 $execute0_lowered;
	[smem:$0x3FD2] =	sst s25  }
0xa7: {  	s6 =	sshll.u32 s26, $0x1;
	_ =	strace $0x80000046;
	[dreg:$0x1] =	wrdreg $0xFFFFFFFF  }
0xa8: {  	s28 =	simm.s32 $_size_execute0_lowered;
	s4 =	sadd.s32 s4, s6;
	[dreg:$0x0] =	wrdreg $0x0  }
0xa9: {  	s6 =	sshll.u32 s28, $0x1;
	[dreg:$0x2] =	wrdreg s4  }
0xaa: {  	[dreg:$0x3] =	wrdreg s6  }
0xab: {  	[dreg:$0x4] =	wrdreg $0xC0  }
0xac: {  	_ =	task [dreg:s8], $0x5FFFF  }
0xad: {  	[dreg:$0x1] =	wrdreg $0xFFFFFFFF  }
0xae: {  	[dreg:$0x0] =	wrdreg $0x60  }
0xaf: {  	[dreg:$0x2] =	wrdreg s24  }
0xb0: {  	[dreg:$0x3] =	wrdreg s2  }
0xb1: {  	[dreg:$0x4] =	wrdreg s18  }
0xb2: {  	[dreg:$0x5] =	wrdreg $0x9  }
0xb3: {  	_ =	task.clear_ibuf [dreg:s8], $0x6FFFF;
	_ =	strace $0x90000046  }
0xb4: {  	s29 =	simm.s32 $0x9;
	_ =	strace $0x80000048  }
0xb5: {  	_ =	swait.ge [sflag:s29], $0x1  }
0xb6: {  	[sflag:s29] =	ssyncadd.s32 $0xFFFFFFFF  }
0xb7: {  	_ =	strace $0x90000048  }
0xb8: {  	_ =	sfence  }
0xb9: {  	s30 =	sld [smem:$0x0];
	_ =	sdelay $0x2  }
0xba: {  	s31 =	sshll.u32 s1, $0xD;
	s1 =	sshrl.u32 s1, $0x2  }
0xbb: {  	s3 =	sand.u32 $0x4000, s31;
	s1 =	sadd.s32 s1, s30  }
0xbc: {  	s0 =	sor.u32 s3, s0;
	s1 =	sshll.u32 s1, $0x11  }
0xbd: {  	s0 =	sor.u32 s1, s0  }
0xbe: {  	s0 =	sadd.s32 $0x8F2B, s0  }
0xbf: {  	[sflag:s0] =	ssyncadd.remote.s32 $0x1  }
0xc0: {  	_ =	sfence.sel $0xFFFF  }
0xc1: {  	[dreg:$0x0] =	wrdreg $0xFFFFFFFF;
	(pc) =	sbr.abs _section_cstart, $3  }
0xc2: {  	[dreg:$0x1] =	wrdreg $0xFFFFFFFF  }
0xc3: {  	_ =	task.clear_ibuf [dreg:s8], $0x2FFFF;
	_ =	strace $0x9FFFFFFF  }
0xc4: {  	(tm) =	ssettm $0x7FFFFFFF  }
0xc5: {  	_ =	shalt  }
tec
execute0_lowered:
.L_overlay_start_1:
0x0: {  	(tag) =	ssettag $0x1  }
0x1: {  	s0 =	srdreg.scid;
	s6 =	rddreg [dreg:$0x0]  }
0x2: {  	s1 =	stileid.u32;
	s10 =	rddreg [dreg:$0x1]  }
0x3: {  	s4 =	rddreg [dreg:$0x2];
	s28 =	simm.s32 $0x2C00;
	s7 =	sand.u32 $0x1, s0  }
0x4: {  	s29 =	simm.s32 $0x3400;
	s1 =	sshll.u32 s1, $0x9;
	s2 =	sshll.u32 s7, $0x8  }
0x5: {  	s30 =	simm.s32 $0x3C00;
	s31 =	simm.s32 $0x4C00;
	s12 =	sor.u32 s2, s1  }
0x6: {  	s7 =	ssub.s32 $0x2, s7;
	s2 =	simm.s32 $0x0;
	s1 =	sshrl.u32 s12, $0x2  }
0x7: {  	[smem:$0x7FF] =	sst s2;
	s15 =	sor.u32 $0x20, s12;
	s14 =	sor.u32 $0x40, s12  }
0x8: {  	s13 =	sor.u32 $0x60, s12;
	s5 =	sshll.u32 s12, $0x6;
	s0 =	sadd.s32 s10, s1  }
0x9: {  	_ =	strace $0x80000047;
	s5 =	sadd.s32 s4, s5;
	[smem:$0x7EF] =	sst s0  }
0xa: {  	v18 =	vlaneseq.u32;
	s9 =	sor.u32 $0x80, s12;
	s10 =	simm.s32 $0x280;
	[dreg:$0x5] =	wrdreg s5  }
0xb: {  	s8 =	sshll.u32 s15, $0x6;
	v2 =	vor.u32 s15, v18;
	s15 =	simm.s32 $0x12C00;
	[dreg:$0xf] =	wrdreg s10  }
0xc: {  	s3 =	sor.u32 $0xA0, s12;
	s0 =	sadd.s32 $0x10, s0;
	[smem:$0x7F4] =	sst s15  }
0xd: {  	s16 =	sshll.u32 s14, $0x6;
	s11 =	sadd.s32 s4, s8;
	[dreg:$0x4] =	wrdreg s0  }
0xe: {  	s18 =	sshll.u32 s13, $0x6;
	s17 =	sadd.s32 s4, s16;
	[dreg:$0x6] =	wrdreg s11  }
0xf: {  	s20 =	sshll.u32 s9, $0x6;
	s19 =	sadd.s32 s4, s18;
	[dreg:$0x7] =	wrdreg s17  }
0x10: {  	s22 =	sshll.u32 s3, $0x6;
	s21 =	sadd.s32 s4, s20;
	[dreg:$0x8] =	wrdreg s19  }
0x11: {  	s1 =	sor.u32 $0xC0, s12;
	s23 =	sadd.s32 s4, s22;
	[dreg:$0x9] =	wrdreg s21  }
0x12: {  	v8 =	vor.u32 s9, v18;
	s9 =	simm.s32 $0x8;
	s5 =	simm.s32 $0x200;
	[dreg:$0xa] =	wrdreg s23  }
0x13: {  	v10 =	vor.u32 s3, v18;
	s3 =	simm.s32 $0x5C00;
	s8 =	simm.s32 $0x300;
	[dreg:$0xd] =	wrdreg s5  }
0x14: {  	v6 =	vor.u32 s13, v18;
	s13 =	simm.s32 $0x6400;
	s16 =	simm.s32 $0x8C00;
	[dreg:$0xe] =	wrdreg s8  }
0x15: {  	v4 =	vor.u32 s14, v18;
	s14 =	simm.s32 $0x6C00;
	s18 =	simm.s32 $0x9C00;
	[dreg:$0x11] =	wrdreg s16  }
0x16: {  	s24 =	sshll.u32 s1, $0x6;
	s20 =	simm.s32 $0xA400;
	[dreg:$0x13] =	wrdreg s18  }
0x17: {  	s10 =	sshrl.u32 s7, $0x1;
	s22 =	simm.s32 $0xB400;
	[dreg:$0x14] =	wrdreg s20  }
0x18: {  	s15 =	simm.s32 $0x7400;
	s25 =	sadd.s32 s4, s24;
	[dreg:$0x16] =	wrdreg s22  }
0x19: {  	s0 =	sor.u32 $0xE0, s12;
	s11 =	simm.s32 $0x380;
	[dreg:$0xb] =	wrdreg s25  }
0x1a: {  	s17 =	simm.s32 $0x9400;
	s19 =	sadd.s32 $0x1400, s6;
	[dreg:$0x10] =	wrdreg s11  }
0x1b: {  	s21 =	simm.s32 $0xAC00;
	s7 =	ssub.s32 s7, s10;
	[dreg:$0x12] =	wrdreg s17  }
0x1c: {  	s23 =	simm.s32 $0xBC00;
	s18 =	sor.u32 $0x10, s12;
	[smem:$0x7F0] =	sst s19  }
0x1d: {  	s24 =	simm.s32 $0xCC00;
	s20 =	sor.u32 $0x50, s12;
	[dreg:$0x15] =	wrdreg s21  }
0x1e: {  	s5 =	simm.s32 $0xE400;
	s10 =	simm.s32 $0xEC00;
	[dreg:$0x17] =	wrdreg s23  }
0x1f: {  	s22 =	sor.u32 $0x90, s12;
	s16 =	simm.s32 $0xFC00;
	[dreg:$0x18] =	wrdreg s24  }
0x20: {  	s8 =	simm.s32 $0x80;
	s26 =	sshll.u32 s0, $0x6;
	[dreg:$0x1b] =	wrdreg s5  }
0x21: {  	s19 =	sor.u32 $0x30, s12;
	s25 =	simm.s32 $0xD400;
	[dreg:$0x1c] =	wrdreg s10  }
0x22: {  	s21 =	sor.u32 $0x70, s12;
	s11 =	simm.s32 $0xF400;
	[dreg:$0x1e] =	wrdreg s16  }
0x23: {  	s23 =	sor.u32 $0xB0, s12;
	s17 =	sor.u32 $0xD0, s12;
	[dreg:$0x19] =	wrdreg s25  }
0x24: {  	vm0 =	vmmov $0xffff;
	v17 =	vshrl.u32 v18, $0x3;
	v0 =	vor.u32 s12, v18;
	s24 =	simm.s32 $0x10C00;
	s16 =	sor.u32 $0xF0, s12;
	[dreg:$0x1d] =	wrdreg s11  }
0x25: {  	v16 =	vand.u32 $0x7, v18;
	v17 =	vmul.u32 $0x8, v17;
	v0 =	vand.u32 $0x30F, v0;
	s7 =	smax.u32 s7, $0x1;
	s5 =	simm.s32 $0x12400;
	[dreg:$0x1f] =	wrdreg s24  }
0x26: {  	v0 =	vor.u32 $0x2000, v0;
	v2 =	vand.u32 $0x32F, v2;
	s10 =	simm.s32 $0x1;
	v1 =	vor.u32 s18, v18;
	s18 =	simm.s32 $0x13400;
	[smem:$0x7F3] =	sst s5  }
0x27: {  	v4 =	vand.u32 $0x34F, v4;
	v6 =	vand.u32 $0x36F, v6;
	s12 =	simm.s32 $0x400;
	v5 =	vor.u32 s20, v18;
	s20 =	simm.s32 $0x14C00;
	[smem:$0x7F5] =	sst s18  }
0x28: {  	v12 =	vor.u32 s1, v18;
	v9 =	vor.u32 s22, v18;
	s22 =	simm.s32 $0x15C00;
	v14 =	vor.u32 s0, v18;
	s0 =	simm.s32 $0x7;
	[smem:$0x7F7] =	sst s20  }
0x29: {  	v8 =	vand.u32 $0x38F, v8;
	v10 =	vand.u32 $0x3AF, v10;
	v2 =	vor.u32 $0x2000, v2;
	s4 =	sadd.s32 s4, s26;
	s26 =	simm.s32 $0xDC00;
	[smem:$0x7F9] =	sst s22  }
0x2a: {  	v4 =	vor.u32 $0x2000, v4;
	v6 =	vor.u32 $0x2000, v6;
	v8 =	vor.u32 $0x2000, v8;
	s25 =	simm.s32 $0x11400;
	s11 =	simm.s32 $0x2;
	[dreg:$0xc] =	wrdreg s4  }
0x2b: {  	v12 =	vand.u32 $0x3CF, v12;
	v3 =	vor.u32 s19, v18;
	v7 =	vor.u32 s21, v18;
	s19 =	simm.s32 $0x13C00;
	s21 =	simm.s32 $0x15400;
	[dreg:$0x1a] =	wrdreg s26  }
0x2c: {  	v10 =	vor.u32 $0x2000, v10;
	v12 =	vor.u32 $0x2000, v12;
	v11 =	vor.u32 s23, v18;
	s20 =	simm.s32 $0x4400;
	s23 =	simm.s32 $0x16400;
	[smem:$0x7F1] =	sst s25  }
0x2d: {  	v1 =	vand.u32 $0x31F, v1;
	v5 =	vand.u32 $0x35F, v5;
	s24 =	simm.s32 $0x16C00;
	v15 =	vor.u32 s16, v18;
	s16 =	simm.s32 $0x7C00;
	[smem:$0x7F6] =	sst s19  }
0x2e: {  	v13 =	vor.u32 s17, v18;
	v9 =	vand.u32 $0x39F, v9;
	v14 =	vand.u32 $0x3EF, v14;
	s17 =	simm.s32 $0x8400;
	s18 =	simm.s32 $0xC400;
	[smem:$0x7F8] =	sst s21  }
0x2f: {  	v18 =	vor.u32 $0x8, v18;
	s5 =	simm.s32 $0x14400;
	s4 =	sadd.s32 $0x1C00, s6;
	v1 =	vor.u32 $0x2000, v1;
	v3 =	vand.u32 $0x33F, v3;
	[smem:$0x7FA] =	sst s23  }
0x30: {  	s6 =	sadd.s32 $0x1D00, s6;
	s26 =	simm.s32 $0x11C00;
	v5 =	vor.u32 $0x2000, v5;
	v7 =	vand.u32 $0x37F, v7;
	[smem:$0x7FB] =	sst s24;
	v9 =	vor.u32 $0x2000, v9  }
0x31: {  	s25 =	simm.s32 $0x17400;
	v11 =	vand.u32 $0x3BF, v11;
	v13 =	vand.u32 $0x3DF, v13;
	v14 =	vor.u32 $0x2000, v14;
	s24 =	simm.s32 $0x1400;
	[smem:$0x7F2] =	sst s26  }
0x32: {  	v15 =	vand.u32 $0x3FF, v15;
	s19 =	simm.s32 $0x10400;
	v3 =	vor.u32 $0x2000, v3;
	v7 =	vor.u32 $0x2000, v7;
	[smem:$0x7FC] =	sst s25;
	s26 =	simm.s32 $0x17C00  }
0x33: {  	v11 =	vor.u32 $0x2000, v11;
	v13 =	vor.u32 $0x2000, v13;
	v15 =	vor.u32 $0x2000, v15;
	s25 =	simm.s32 $0x1C00;
	[smem:$0x7FD] =	sst s26;
	s26 =	simm.s32 $0x2400  }
.LBB2_1:
0x34: {  	s22 =	sld [smem:$0x7EF];
	_ =	sdelay $0x1  }
0x35: {  	s23 =	simm.s32 $0x100  }
0x36: {  	[tilespmem:s2], [sflag:$0x1] =	stream.strided.gather [hbm4b:s22+s8], $0x100, s23, s8, $0x38;
	[tilespmem:$0x18400] =	vst v63  }
0x37: {  	s21 =	rddreg [dreg:$0x4]  }
0x38: {  	[tilespmem:s23], [sflag:$0x2] =	stream.strided.gather [hbm4b:s21+s8], $0x100, s23, s8, $0x38;
	[tilespmem:$0x18400] =	vst v63  }
0x39: {  	_ =	swait.ge [sflag:s10], $0x100  }
0x3a: {  	[sflag:s10] =	ssyncset.done $0x0  }
0x3b: {  	[sflag:s10] =	ssyncadd.s32 $0xFFFFFF00  }
0x3c: {  	_ =	swait.ge [sflag:s11], $0x100  }
0x3d: {  	[sflag:s11] =	ssyncset.done $0x0  }
0x3e: {  	[sflag:s11] =	ssyncadd.s32 $0xFFFFFF00  }
0x3f: {  	v19 =	vld [tilespmem:$0x0]  }
0x40: {  	v20 =	vld [tilespmem:$0x100]  }
0x41: {  	v21 =	vld [tilespmem:$0x10]  }
0x42: {  	v22 =	vld [tilespmem:$0x110]  }
0x43: {  	v23 =	vld [tilespmem:$0x20]  }
0x44: {  	v24 =	vld [tilespmem:$0x120]  }
0x45: {  	v25 =	vld [tilespmem:$0x30]  }
0x46: {  	v26 =	vld [tilespmem:$0x130]  }
0x47: {  	v27 =	vld [tilespmem:$0x40]  }
0x48: {  	v28 =	vld [tilespmem:$0x140]  }
0x49: {  	v29 =	vld [tilespmem:$0x50]  }
0x4a: {  	v30 =	vld [tilespmem:$0x150]  }
0x4b: {  	v31 =	vld [tilespmem:$0x60];
	v19 =	vshll.u32 v19, $0xB  }
0x4c: {  	v60 =	vld [tilespmem:$0x160];
	v19 =	vadd.s32 v20, v19;
	v20 =	vshll.u32 v21, $0xB  }
0x4d: {  	v61 =	vld [tilespmem:$0x70];
	[tilespmem:$0x200] =	vst v19;
	v19 =	vadd.s32 v22, v20;
	v20 =	vshll.u32 v23, $0xB  }
0x4e: {  	v62 =	vld [tilespmem:$0x170];
	[tilespmem:$0x210] =	vst v19;
	v19 =	vadd.s32 v24, v20;
	v20 =	vshll.u32 v25, $0xB  }
0x4f: {  	[tilespmem:$0x220] =	vst v19;
	v19 =	vadd.s32 v26, v20;
	v20 =	vshll.u32 v27, $0xB  }
0x50: {  	[tilespmem:$0x230] =	vst v19;
	v19 =	vadd.s32 v28, v20;
	v20 =	vshll.u32 v29, $0xB  }
0x51: {  	[tilespmem:$0x240] =	vst v19;
	v19 =	vadd.s32 v30, v20;
	v20 =	vshll.u32 v31, $0xB  }
0x52: {  	s1 =	sld [smem:$0x7F0];
	[tilespmem:$0x250] =	vst v19;
	v19 =	vadd.s32 v60, v20;
	v20 =	vshll.u32 v61, $0xB  }
0x53: {  	s22 =	rddreg [dreg:$0xd];
	[tilespmem:$0x260] =	vst v19;
	v19 =	vadd.s32 v62, v20  }
0x54: {  	s23 =	rddreg [dreg:$0xe];
	[tilespmem:$0x270] =	vst v19  }
0x55: {  	[tilespmem:s23], [sflag:$0x1] =	stream.indirect.gather [hbm4b:s1+s8], $0x1, s22, s8, $0xb8;
	[tilespmem:$0x18400] =	vst v63  }
0x56: {  	v19 =	vld [tilespmem:$0x80]  }
0x57: {  	v20 =	vld [tilespmem:$0x180]  }
0x58: {  	v63 =	vld [tilespmem:$0x90]  }
0x59: {  	v33 =	vld [tilespmem:$0x190]  }
0x5a: {  	v34 =	vld [tilespmem:$0xA0]  }
0x5b: {  	v35 =	vld [tilespmem:$0x1A0]  }
0x5c: {  	v36 =	vld [tilespmem:$0xB0]  }
0x5d: {  	v37 =	vld [tilespmem:$0x1B0]  }
0x5e: {  	v38 =	vld [tilespmem:$0xC0]  }
0x5f: {  	v39 =	vld [tilespmem:$0x1C0]  }
0x60: {  	v40 =	vld [tilespmem:$0xD0]  }
0x61: {  	v41 =	vld [tilespmem:$0x1D0]  }
0x62: {  	v42 =	vld [tilespmem:$0xE0];
	v19 =	vshll.u32 v19, $0xB  }
0x63: {  	v43 =	vld [tilespmem:$0x1E0];
	v19 =	vadd.s32 v20, v19;
	v20 =	vshll.u32 v63, $0xB  }
0x64: {  	v44 =	vld [tilespmem:$0xF0];
	[tilespmem:$0x280] =	vst v19;
	v19 =	vadd.s32 v33, v20;
	v20 =	vshll.u32 v34, $0xB  }
0x65: {  	v45 =	vld [tilespmem:$0x1F0];
	[tilespmem:$0x290] =	vst v19;
	v19 =	vadd.s32 v35, v20;
	v20 =	vshll.u32 v36, $0xB  }
0x66: {  	[tilespmem:$0x2A0] =	vst v19;
	v19 =	vadd.s32 v37, v20;
	v20 =	vshll.u32 v38, $0xB  }
0x67: {  	[tilespmem:$0x2B0] =	vst v19;
	v19 =	vadd.s32 v39, v20;
	v20 =	vshll.u32 v40, $0xB  }
0x68: {  	[tilespmem:$0x2C0] =	vst v19;
	v19 =	vadd.s32 v41, v20;
	v20 =	vshll.u32 v42, $0xB  }
0x69: {  	[tilespmem:$0x2D0] =	vst v19;
	v19 =	vadd.s32 v43, v20;
	v20 =	vshll.u32 v44, $0xB  }
0x6a: {  	s22 =	rddreg [dreg:$0xf];
	[tilespmem:$0x2E0] =	vst v19;
	v19 =	vadd.s32 v45, v20  }
0x6b: {  	s23 =	rddreg [dreg:$0x10];
	[tilespmem:$0x2F0] =	vst v19  }
0x6c: {  	[tilespmem:s23], [sflag:$0x2] =	stream.indirect.gather [hbm4b:s1+s8], $0x1, s22, s8, $0xb8;
	[tilespmem:$0x18400] =	vst v63  }
0x6d: {  	_ =	swait.ge [sflag:s10], $0x80  }
0x6e: {  	[sflag:s10] =	ssyncset.done $0x0  }
0x6f: {  	[sflag:s10] =	ssyncadd.s32 $0xFFFFFF80  }
0x70: {  	v19 =	vld [tilespmem:$0x300];
	_ =	sdelay $0x2  }
0x71: {  	v20 =	vld [tilespmem:$0x310]  }
0x72: {  	v46 =	vld [tilespmem:$0x320]  }
0x73: {  	v47 =	vld [tilespmem:$0x330];
	vm1 =	vlt.s32 v19, $0x0  }
0x74: {  	v48 =	vld [tilespmem:$0x340];
	v19 =	vsel vm1, v0, v19  }
0x75: {  	v49 =	vld [tilespmem:$0x350];
	v50 =	vshll.u32 v19, $0x2  }
0x76: {  	v51 =	vld [tilespmem:$0x360];
	vm1 =	vlt.s32 v20, $0x0;
	v52 =	vand.u32 $0x7, v19;
	v25 =	vand.u32 $0xFFFFFFE0, v50  }
0x77: {  	[tilespmem:$0x300] =	vst v19;
	v19 =	vsel vm1, v1, v20;
	vm1 =	vlt.s32 v46, $0x0;
	v20 =	vld [tilespmem:$0x370];
	v25 =	vor.u32 v52, v25  }
0x78: {  	[tilespmem:$0x310] =	vst v19;
	v19 =	vsel vm1, v2, v46;
	vm1 =	vlt.s32 v47, $0x0;
	v53 =	vperm.xlane v25, v16  }
0x79: {  	[tilespmem:$0x320] =	vst v19;
	v19 =	vsel vm1, v3, v47;
	vm1 =	vlt.s32 v48, $0x0  }
0x7a: {  	[tilespmem:$0x330] =	vst v19;
	v19 =	vsel vm1, v4, v48;
	vm1 =	vlt.s32 v49, $0x0;
	v21 =	vadd.s32 v17, v53  }
0x7b: {  	[tilespmem:$0x340] =	vst v19;
	v19 =	vsel vm1, v5, v49;
	vm1 =	vlt.s32 v51, $0x0  }
0x7c: {  	v54 =	vperm.xlane v25, v18;
	[tilespmem:$0x350] =	vst v19;
	v19 =	vsel vm1, v6, v51;
	vm1 =	vlt.s32 v20, $0x0  }
0x7d: {  	[tilespmem:$0x360] =	vst v19;
	v19 =	vsel vm1, v7, v20  }
0x7e: {  	[tilespmem:$0x370] =	vst v19;
	v19 =	vadd.s32 v17, v54  }
0x7f: {  	[tilespmem:s12], [sflag:$0x1] =	stream.indirect_vreg.gather [hbm4b:s4+s2], $0x80, v21, vm0, $0xb8;
	[tilespmem:$0x18400] =	vst v63  }
0x80: {  	s23 =	simm.s32 $0xC00  }
0x81: {  	[tilespmem:s23], [sflag:$0x1] =	stream.indirect_vreg.gather [hbm4b:s6+s2], $0x80, v21, vm0, $0xb8;
	[tilespmem:$0x18400] =	vst v63  }
0x82: {  	_ = 	snop  }
0x83: {  	[tilespmem:s24], [sflag:$0x1] =	stream.indirect_vreg.gather [hbm4b:s4+s2], $0x80, v19, vm0, $0xb8;
	[tilespmem:$0x18400] =	vst v63  }
0x84: {  	_ = 	snop  }
0x85: {  	[tilespmem:s25], [sflag:$0x1] =	stream.indirect_vreg.gather [hbm4b:s6+s2], $0x80, v19, vm0, $0xb8;
	[tilespmem:$0x18400] =	vst v63  }
0x86: {  	v19 =	vld [tilespmem:$0x310];
	_ =	sdelay $0x4  }
0x87: {  	v20 =	vshll.u32 v19, $0x2  }
0x88: {  	v19 =	vand.u32 $0x7, v19;
	v20 =	vand.u32 $0xFFFFFFE0, v20  }
0x89: {  	v19 =	vor.u32 v19, v20  }
0x8a: {  	v20 =	vperm.xlane v19, v16;
	_ =	sdelay $0x1  }
0x8b: {  	v20 =	vadd.s32 v17, v20;
	_ =	sdelay $0x1  }
0x8c: {  	v19 =	vperm.xlane v19, v18;
	_ =	sdelay $0x1  }
0x8d: {  	v19 =	vadd.s32 v17, v19  }
0x8e: {  	[tilespmem:s26], [sflag:$0x1] =	stream.indirect_vreg.gather [hbm4b:s4+s2], $0x80, v20, vm0, $0xb8;
	[tilespmem:$0x18400] =	vst v63  }
0x8f: {  	_ = 	snop  }
0x90: {  	[tilespmem:s28], [sflag:$0x1] =	stream.indirect_vreg.gather [hbm4b:s6+s2], $0x80, v20, vm0, $0xb8;
	[tilespmem:$0x18400] =	vst v63  }
0x91: {  	_ = 	snop  }
0x92: {  	[tilespmem:s29], [sflag:$0x1] =	stream.indirect_vreg.gather [hbm4b:s4+s2], $0x80, v19, vm0, $0xb8;
	[tilespmem:$0x18400] =	vst v63  }
0x93: {  	_ = 	snop  }
0x94: {  	[tilespmem:s30], [sflag:$0x1] =	stream.indirect_vreg.gather [hbm4b:s6+s2], $0x80, v19, vm0, $0xb8;
	[tilespmem:$0x18400] =	vst v63  }
0x95: {  	v19 =	vld [tilespmem:$0x320];
	_ =	sdelay $0x4  }
0x96: {  	v20 =	vshll.u32 v19, $0x2  }
0x97: {  	v19 =	vand.u32 $0x7, v19;
	v20 =	vand.u32 $0xFFFFFFE0, v20  }
0x98: {  	v19 =	vor.u32 v19, v20  }
0x99: {  	v20 =	vperm.xlane v19, v16;
	_ =	sdelay $0x1  }
0x9a: {  	v20 =	vadd.s32 v17, v20;
	_ =	sdelay $0x1  }
0x9b: {  	v19 =	vperm.xlane v19, v18;
	_ =	sdelay $0x1  }
0x9c: {  	v19 =	vadd.s32 v17, v19  }
0x9d: {  	[tilespmem:s20], [sflag:$0x2] =	stream.indirect_vreg.gather [hbm4b:s4+s2], $0x80, v20, vm0, $0xb8;
	[tilespmem:$0x18400] =	vst v63  }
0x9e: {  	_ = 	snop  }
0x9f: {  	[tilespmem:s31], [sflag:$0x2] =	stream.indirect_vreg.gather [hbm4b:s6+s2], $0x80, v20, vm0, $0xb8;
	[tilespmem:$0x18400] =	vst v63  }
0xa0: {  	s1 =	simm.s32 $0x5400  }
0xa1: {  	[tilespmem:s1], [sflag:$0x2] =	stream.indirect_vreg.gather [hbm4b:s4+s2], $0x80, v19, vm0, $0xb8;
	[tilespmem:$0x18400] =	vst v63  }
0xa2: {  	_ = 	snop  }
0xa3: {  	[tilespmem:s3], [sflag:$0x2] =	stream.indirect_vreg.gather [hbm4b:s6+s2], $0x80, v19, vm0, $0xb8;
	[tilespmem:$0x18400] =	vst v63  }
0xa4: {  	v19 =	vld [tilespmem:$0x330];
	_ =	sdelay $0x4  }
0xa5: {  	v20 =	vshll.u32 v19, $0x2  }
0xa6: {  	v19 =	vand.u32 $0x7, v19;
	v20 =	vand.u32 $0xFFFFFFE0, v20  }
0xa7: {  	v19 =	vor.u32 v19, v20  }
0xa8: {  	v20 =	vperm.xlane v19, v16;
	_ =	sdelay $0x1  }
0xa9: {  	v20 =	vadd.s32 v17, v20;
	_ =	sdelay $0x1  }
0xaa: {  	v19 =	vperm.xlane v19, v18;
	_ =	sdelay $0x1  }
0xab: {  	v19 =	vadd.s32 v17, v19  }
0xac: {  	[tilespmem:s13], [sflag:$0x2] =	stream.indirect_vreg.gather [hbm4b:s4+s2], $0x80, v20, vm0, $0xb8;
	[tilespmem:$0x18400] =	vst v63  }
0xad: {  	_ = 	snop  }
0xae: {  	[tilespmem:s14], [sflag:$0x2] =	stream.indirect_vreg.gather [hbm4b:s6+s2], $0x80, v20, vm0, $0xb8;
	[tilespmem:$0x18400] =	vst v63  }
0xaf: {  	_ = 	snop  }
0xb0: {  	[tilespmem:s15], [sflag:$0x2] =	stream.indirect_vreg.gather [hbm4b:s4+s2], $0x80, v19, vm0, $0xb8;
	[tilespmem:$0x18400] =	vst v63  }
0xb1: {  	_ = 	snop  }
0xb2: {  	[tilespmem:s16], [sflag:$0x2] =	stream.indirect_vreg.gather [hbm4b:s6+s2], $0x80, v19, vm0, $0xb8;
	[tilespmem:$0x18400] =	vst v63  }
0xb3: {  	v19 =	vld [tilespmem:$0x340];
	_ =	sdelay $0x4  }
0xb4: {  	v20 =	vshll.u32 v19, $0x2  }
0xb5: {  	v19 =	vand.u32 $0x7, v19;
	v20 =	vand.u32 $0xFFFFFFE0, v20  }
0xb6: {  	v19 =	vor.u32 v19, v20  }
0xb7: {  	v20 =	vperm.xlane v19, v16;
	_ =	sdelay $0x1  }
0xb8: {  	v20 =	vadd.s32 v17, v20;
	_ =	sdelay $0x1  }
0xb9: {  	v19 =	vperm.xlane v19, v18;
	_ =	sdelay $0x1  }
0xba: {  	v19 =	vadd.s32 v17, v19  }
0xbb: {  	[tilespmem:s17], [sflag:$0x3] =	stream.indirect_vreg.gather [hbm4b:s4+s2], $0x80, v20, vm0, $0xb8;
	[tilespmem:$0x18400] =	vst v63  }
0xbc: {  	s21 =	rddreg [dreg:$0x11]  }
0xbd: {  	[tilespmem:s21], [sflag:$0x3] =	stream.indirect_vreg.gather [hbm4b:s6+s2], $0x80, v20, vm0, $0xb8;
	[tilespmem:$0x18400] =	vst v63  }
0xbe: {  	s22 =	rddreg [dreg:$0x12]  }
0xbf: {  	[tilespmem:s22], [sflag:$0x3] =	stream.indirect_vreg.gather [hbm4b:s4+s2], $0x80, v19, vm0, $0xb8;
	[tilespmem:$0x18400] =	vst v63  }
0xc0: {  	s21 =	rddreg [dreg:$0x13]  }
0xc1: {  	[tilespmem:s21], [sflag:$0x3] =	stream.indirect_vreg.gather [hbm4b:s6+s2], $0x80, v19, vm0, $0xb8;
	[tilespmem:$0x18400] =	vst v63  }
0xc2: {  	v19 =	vld [tilespmem:$0x350];
	_ =	sdelay $0x4  }
0xc3: {  	v20 =	vshll.u32 v19, $0x2  }
0xc4: {  	v19 =	vand.u32 $0x7, v19;
	v20 =	vand.u32 $0xFFFFFFE0, v20  }
0xc5: {  	v19 =	vor.u32 v19, v20  }
0xc6: {  	v20 =	vperm.xlane v19, v16;
	_ =	sdelay $0x1  }
0xc7: {  	v20 =	vadd.s32 v17, v20;
	_ =	sdelay $0x1  }
0xc8: {  	v19 =	vperm.xlane v19, v18;
	_ =	sdelay $0x1  }
0xc9: {  	s21 =	rddreg [dreg:$0x14];
	v19 =	vadd.s32 v17, v19  }
0xca: {  	[tilespmem:s21], [sflag:$0x3] =	stream.indirect_vreg.gather [hbm4b:s4+s2], $0x80, v20, vm0, $0xb8;
	[tilespmem:$0x18400] =	vst v63  }
0xcb: {  	s22 =	rddreg [dreg:$0x15]  }
0xcc: {  	[tilespmem:s22], [sflag:$0x3] =	stream.indirect_vreg.gather [hbm4b:s6+s2], $0x80, v20, vm0, $0xb8;
	[tilespmem:$0x18400] =	vst v63  }
0xcd: {  	s21 =	rddreg [dreg:$0x16]  }
0xce: {  	[tilespmem:s21], [sflag:$0x3] =	stream.indirect_vreg.gather [hbm4b:s4+s2], $0x80, v19, vm0, $0xb8;
	[tilespmem:$0x18400] =	vst v63  }
0xcf: {  	s22 =	rddreg [dreg:$0x17]  }
0xd0: {  	[tilespmem:s22], [sflag:$0x3] =	stream.indirect_vreg.gather [hbm4b:s6+s2], $0x80, v19, vm0, $0xb8;
	[tilespmem:$0x18400] =	vst v63  }
0xd1: {  	v19 =	vld [tilespmem:$0x360];
	_ =	sdelay $0x4  }
0xd2: {  	v20 =	vshll.u32 v19, $0x2  }
0xd3: {  	v19 =	vand.u32 $0x7, v19;
	v20 =	vand.u32 $0xFFFFFFE0, v20  }
0xd4: {  	v19 =	vor.u32 v19, v20  }
0xd5: {  	v20 =	vperm.xlane v19, v16;
	_ =	sdelay $0x1  }
0xd6: {  	v20 =	vadd.s32 v17, v20;
	_ =	sdelay $0x1  }
0xd7: {  	v19 =	vperm.xlane v19, v18;
	_ =	sdelay $0x1  }
0xd8: {  	v19 =	vadd.s32 v17, v19  }
0xd9: {  	[tilespmem:s18], [sflag:$0x4] =	stream.indirect_vreg.gather [hbm4b:s4+s2], $0x80, v20, vm0, $0xb8;
	[tilespmem:$0x18400] =	vst v63  }
0xda: {  	s21 =	rddreg [dreg:$0x18]  }
0xdb: {  	[tilespmem:s21], [sflag:$0x4] =	stream.indirect_vreg.gather [hbm4b:s6+s2], $0x80, v20, vm0, $0xb8;
	[tilespmem:$0x18400] =	vst v63  }
0xdc: {  	s22 =	rddreg [dreg:$0x19]  }
0xdd: {  	[tilespmem:s22], [sflag:$0x4] =	stream.indirect_vreg.gather [hbm4b:s4+s2], $0x80, v19, vm0, $0xb8;
	[tilespmem:$0x18400] =	vst v63  }
0xde: {  	s21 =	rddreg [dreg:$0x1a]  }
0xdf: {  	[tilespmem:s21], [sflag:$0x4] =	stream.indirect_vreg.gather [hbm4b:s6+s2], $0x80, v19, vm0, $0xb8;
	[tilespmem:$0x18400] =	vst v63  }
0xe0: {  	v19 =	vld [tilespmem:$0x370];
	_ =	sdelay $0x4  }
0xe1: {  	v20 =	vshll.u32 v19, $0x2  }
0xe2: {  	v19 =	vand.u32 $0x7, v19;
	v20 =	vand.u32 $0xFFFFFFE0, v20  }
0xe3: {  	v19 =	vor.u32 v19, v20  }
0xe4: {  	v20 =	vperm.xlane v19, v16;
	_ =	sdelay $0x1  }
0xe5: {  	v20 =	vadd.s32 v17, v20;
	_ =	sdelay $0x1  }
0xe6: {  	v19 =	vperm.xlane v19, v18;
	_ =	sdelay $0x1  }
0xe7: {  	s21 =	rddreg [dreg:$0x1b];
	v19 =	vadd.s32 v17, v19  }
0xe8: {  	[tilespmem:s21], [sflag:$0x4] =	stream.indirect_vreg.gather [hbm4b:s4+s2], $0x80, v20, vm0, $0xb8;
	[tilespmem:$0x18400] =	vst v63  }
0xe9: {  	s22 =	rddreg [dreg:$0x1c]  }
0xea: {  	[tilespmem:s22], [sflag:$0x4] =	stream.indirect_vreg.gather [hbm4b:s6+s2], $0x80, v20, vm0, $0xb8;
	[tilespmem:$0x18400] =	vst v63  }
0xeb: {  	s21 =	rddreg [dreg:$0x1d]  }
0xec: {  	[tilespmem:s21], [sflag:$0x4] =	stream.indirect_vreg.gather [hbm4b:s4+s2], $0x80, v19, vm0, $0xb8;
	[tilespmem:$0x18400] =	vst v63  }
0xed: {  	s22 =	rddreg [dreg:$0x1e]  }
0xee: {  	[tilespmem:s22], [sflag:$0x4] =	stream.indirect_vreg.gather [hbm4b:s6+s2], $0x80, v19, vm0, $0xb8;
	[tilespmem:$0x18400] =	vst v63  }
0xef: {  	_ =	swait.ge [sflag:s11], $0x80  }
0xf0: {  	[sflag:s11] =	ssyncset.done $0x0  }
0xf1: {  	[sflag:s11] =	ssyncadd.s32 $0xFFFFFF80  }
0xf2: {  	v19 =	vld [tilespmem:$0x380];
	_ =	sdelay $0x2  }
0xf3: {  	v20 =	vld [tilespmem:$0x390]  }
0xf4: {  	v55 =	vld [tilespmem:$0x3A0]  }
0xf5: {  	v56 =	vld [tilespmem:$0x3B0];
	vm1 =	vlt.s32 v19, $0x0  }
0xf6: {  	v57 =	vld [tilespmem:$0x3C0];
	v19 =	vsel vm1, v8, v19  }
0xf7: {  	v58 =	vld [tilespmem:$0x3D0];
	v59 =	vshll.u32 v19, $0x2  }
0xf8: {  	v60 =	vld [tilespmem:$0x3E0];
	vm1 =	vlt.s32 v20, $0x0;
	v61 =	vand.u32 $0x7, v19;
	v25 =	vand.u32 $0xFFFFFFE0, v59  }
0xf9: {  	v62 =	vld [tilespmem:$0x3F0];
	[tilespmem:$0x380] =	vst v19;
	v19 =	vsel vm1, v9, v20;
	vm1 =	vlt.s32 v55, $0x0;
	v20 =	vor.u32 v61, v25  }
0xfa: {  	[tilespmem:$0x390] =	vst v19;
	v19 =	vsel vm1, v10, v55;
	vm1 =	vlt.s32 v56, $0x0;
	v63 =	vperm.xlane v20, v16  }
0xfb: {  	[tilespmem:$0x3A0] =	vst v19;
	v19 =	vsel vm1, v11, v56;
	vm1 =	vlt.s32 v57, $0x0  }
0xfc: {  	[tilespmem:$0x3B0] =	vst v19;
	v19 =	vsel vm1, v12, v57;
	vm1 =	vlt.s32 v58, $0x0;
	v21 =	vadd.s32 v17, v63  }
0xfd: {  	[tilespmem:$0x3C0] =	vst v19;
	v19 =	vsel vm1, v13, v58;
	vm1 =	vlt.s32 v60, $0x0  }
0xfe: {  	v20 =	vperm.xlane v20, v18;
	[tilespmem:$0x3D0] =	vst v19;
	v19 =	vsel vm1, v14, v60;
	vm1 =	vlt.s32 v62, $0x0  }
0xff: {  	[tilespmem:$0x3E0] =	vst v19;
	v19 =	vsel vm1, v15, v62  }
0x100: {  	s21 =	rddreg [dreg:$0x1f];
	[tilespmem:$0x3F0] =	vst v19;
	v19 =	vadd.s32 v17, v20  }
0x101: {  	[tilespmem:s19], [sflag:$0x5] =	stream.indirect_vreg.gather [hbm4b:s4+s2], $0x80, v21, vm0, $0xb8;
	[tilespmem:$0x18400] =	vst v63  }
0x102: {  	s22 =	sld [smem:$0x7F1]  }
0x103: {  	[tilespmem:s21], [sflag:$0x5] =	stream.indirect_vreg.gather [hbm4b:s6+s2], $0x80, v21, vm0, $0xb8;
	[tilespmem:$0x18400] =	vst v63  }
0x104: {  	s21 =	sld [smem:$0x7F2]  }
0x105: {  	[tilespmem:s22], [sflag:$0x5] =	stream.indirect_vreg.gather [hbm4b:s4+s2], $0x80, v19, vm0, $0xb8;
	[tilespmem:$0x18400] =	vst v63  }
0x106: {  	_ = 	snop  }
0x107: {  	[tilespmem:s21], [sflag:$0x5] =	stream.indirect_vreg.gather [hbm4b:s6+s2], $0x80, v19, vm0, $0xb8;
	[tilespmem:$0x18400] =	vst v63  }
0x108: {  	v19 =	vld [tilespmem:$0x390];
	_ =	sdelay $0x4  }
0x109: {  	v20 =	vshll.u32 v19, $0x2  }
0x10a: {  	v19 =	vand.u32 $0x7, v19;
	v20 =	vand.u32 $0xFFFFFFE0, v20  }
0x10b: {  	v19 =	vor.u32 v19, v20  }
0x10c: {  	v20 =	vperm.xlane v19, v16;
	_ =	sdelay $0x1  }
0x10d: {  	v20 =	vadd.s32 v17, v20;
	_ =	sdelay $0x1  }
0x10e: {  	s21 =	sld [smem:$0x7F3];
	v19 =	vperm.xlane v19, v18;
	_ =	sdelay $0x1  }
0x10f: {  	s22 =	sld [smem:$0x7F4];
	v19 =	vadd.s32 v17, v19  }
0x110: {  	[tilespmem:s21], [sflag:$0x5] =	stream.indirect_vreg.gather [hbm4b:s4+s2], $0x80, v20, vm0, $0xb8;
	[tilespmem:$0x18400] =	vst v63  }
0x111: {  	s21 =	sld [smem:$0x7F5]  }
0x112: {  	[tilespmem:s22], [sflag:$0x5] =	stream.indirect_vreg.gather [hbm4b:s6+s2], $0x80, v20, vm0, $0xb8;
	[tilespmem:$0x18400] =	vst v63  }
0x113: {  	s22 =	sld [smem:$0x7F6]  }
0x114: {  	[tilespmem:s21], [sflag:$0x5] =	stream.indirect_vreg.gather [hbm4b:s4+s2], $0x80, v19, vm0, $0xb8;
	[tilespmem:$0x18400] =	vst v63  }
0x115: {  	_ = 	snop  }
0x116: {  	[tilespmem:s22], [sflag:$0x5] =	stream.indirect_vreg.gather [hbm4b:s6+s2], $0x80, v19, vm0, $0xb8;
	[tilespmem:$0x18400] =	vst v63  }
0x117: {  	_ =	swait.ge [sflag:s10], $0x4000  }
0x118: {  	[sflag:s10] =	ssyncset.done $0x0  }
0x119: {  	s22 =	rddreg [dreg:$0x5];
	[sflag:s10] =	ssyncadd.s32 $0xFFFFC000  }
0x11a: {  	[hbm4b:s22+s2] =	stream.linear.scatter [tilespmem:s12], [sflag:$0x7], $0x4000, $0x38;
	[tilespmem:$0x18400] =	vst v63  }
0x11b: {  	v19 =	vld [tilespmem:$0x3A0];
	_ =	sdelay $0x4  }
0x11c: {  	v20 =	vshll.u32 v19, $0x2  }
0x11d: {  	v19 =	vand.u32 $0x7, v19;
	v20 =	vand.u32 $0xFFFFFFE0, v20  }
0x11e: {  	v19 =	vor.u32 v19, v20  }
0x11f: {  	v20 =	vperm.xlane v19, v16;
	_ =	sdelay $0x1  }
0x120: {  	v20 =	vadd.s32 v17, v20;
	_ =	sdelay $0x1  }
0x121: {  	v19 =	vperm.xlane v19, v18;
	_ =	sdelay $0x1  }
0x122: {  	s21 =	sld [smem:$0x7F7];
	v19 =	vadd.s32 v17, v19  }
0x123: {  	[tilespmem:s5], [sflag:$0x6] =	stream.indirect_vreg.gather [hbm4b:s4+s2], $0x80, v20, vm0, $0xb8;
	[tilespmem:$0x18400] =	vst v63  }
0x124: {  	s22 =	sld [smem:$0x7F8]  }
0x125: {  	[tilespmem:s21], [sflag:$0x6] =	stream.indirect_vreg.gather [hbm4b:s6+s2], $0x80, v20, vm0, $0xb8;
	[tilespmem:$0x18400] =	vst v63  }
0x126: {  	s21 =	sld [smem:$0x7F9]  }
0x127: {  	[tilespmem:s22], [sflag:$0x6] =	stream.indirect_vreg.gather [hbm4b:s4+s2], $0x80, v19, vm0, $0xb8;
	[tilespmem:$0x18400] =	vst v63  }
0x128: {  	_ = 	snop  }
0x129: {  	[tilespmem:s21], [sflag:$0x6] =	stream.indirect_vreg.gather [hbm4b:s6+s2], $0x80, v19, vm0, $0xb8;
	[tilespmem:$0x18400] =	vst v63  }
0x12a: {  	v19 =	vld [tilespmem:$0x3B0];
	_ =	sdelay $0x4  }
0x12b: {  	v20 =	vshll.u32 v19, $0x2  }
0x12c: {  	v19 =	vand.u32 $0x7, v19;
	v20 =	vand.u32 $0xFFFFFFE0, v20  }
0x12d: {  	v19 =	vor.u32 v19, v20  }
0x12e: {  	v20 =	vperm.xlane v19, v16;
	_ =	sdelay $0x1  }
0x12f: {  	v20 =	vadd.s32 v17, v20;
	_ =	sdelay $0x1  }
0x130: {  	s21 =	sld [smem:$0x7FA];
	v19 =	vperm.xlane v19, v18;
	_ =	sdelay $0x1  }
0x131: {  	s22 =	sld [smem:$0x7FB];
	v19 =	vadd.s32 v17, v19  }
0x132: {  	[tilespmem:s21], [sflag:$0x6] =	stream.indirect_vreg.gather [hbm4b:s4+s2], $0x80, v20, vm0, $0xb8;
	[tilespmem:$0x18400] =	vst v63  }
0x133: {  	s21 =	sld [smem:$0x7FC]  }
0x134: {  	[tilespmem:s22], [sflag:$0x6] =	stream.indirect_vreg.gather [hbm4b:s6+s2], $0x80, v20, vm0, $0xb8;
	[tilespmem:$0x18400] =	vst v63  }
0x135: {  	s22 =	sld [smem:$0x7FD]  }
0x136: {  	[tilespmem:s21], [sflag:$0x6] =	stream.indirect_vreg.gather [hbm4b:s4+s2], $0x80, v19, vm0, $0xb8;
	[tilespmem:$0x18400] =	vst v63  }
0x137: {  	_ = 	snop  }
0x138: {  	[tilespmem:s22], [sflag:$0x6] =	stream.indirect_vreg.gather [hbm4b:s6+s2], $0x80, v19, vm0, $0xb8;
	[tilespmem:$0x18400] =	vst v63  }
0x139: {  	_ =	swait.ge [sflag:s11], $0x4000  }
0x13a: {  	[sflag:s11] =	ssyncset.done $0x0  }
0x13b: {  	s22 =	rddreg [dreg:$0x6];
	[sflag:s11] =	ssyncadd.s32 $0xFFFFC000  }
0x13c: {  	[hbm4b:s22+s2] =	stream.linear.scatter [tilespmem:s20], [sflag:$0x8], $0x4000, $0x38;
	[tilespmem:$0x18400] =	vst v63  }
0x13d: {  	_ =	swait.ge [sflag:s0], $0x4000  }
0x13e: {  	[sflag:s0] =	ssyncset.done $0x0  }
0x13f: {  	[sflag:s0] =	ssyncadd.s32 $0xFFFFC000  }
0x140: {  	v19 =	vld [tilespmem:$0x3C0];
	_ =	sdelay $0x4  }
0x141: {  	v20 =	vshll.u32 v19, $0x2  }
0x142: {  	v19 =	vand.u32 $0x7, v19;
	v20 =	vand.u32 $0xFFFFFFE0, v20  }
0x143: {  	v19 =	vor.u32 v19, v20  }
0x144: {  	v20 =	vperm.xlane v19, v16;
	_ =	sdelay $0x1  }
0x145: {  	v20 =	vadd.s32 v17, v20;
	_ =	sdelay $0x1  }
0x146: {  	v19 =	vperm.xlane v19, v18;
	_ =	sdelay $0x1  }
0x147: {  	v19 =	vadd.s32 v17, v19  }
0x148: {  	[tilespmem:s12], [sflag:$0x1] =	stream.indirect_vreg.gather [hbm4b:s4+s2], $0x80, v20, vm0, $0xb8;
	[tilespmem:$0x18400] =	vst v63  }
0x149: {  	_ = 	snop  }
0x14a: {  	[tilespmem:s23], [sflag:$0x1] =	stream.indirect_vreg.gather [hbm4b:s6+s2], $0x80, v20, vm0, $0xb8;
	[tilespmem:$0x18400] =	vst v63  }
0x14b: {  	_ = 	snop  }
0x14c: {  	[tilespmem:s24], [sflag:$0x1] =	stream.indirect_vreg.gather [hbm4b:s4+s2], $0x80, v19, vm0, $0xb8;
	[tilespmem:$0x18400] =	vst v63  }
0x14d: {  	_ = 	snop  }
0x14e: {  	[tilespmem:s25], [sflag:$0x1] =	stream.indirect_vreg.gather [hbm4b:s6+s2], $0x80, v19, vm0, $0xb8;
	[tilespmem:$0x18400] =	vst v63  }
0x14f: {  	v19 =	vld [tilespmem:$0x3D0];
	_ =	sdelay $0x4  }
0x150: {  	v20 =	vshll.u32 v19, $0x2  }
0x151: {  	v19 =	vand.u32 $0x7, v19;
	v20 =	vand.u32 $0xFFFFFFE0, v20  }
0x152: {  	v19 =	vor.u32 v19, v20  }
0x153: {  	v20 =	vperm.xlane v19, v16;
	_ =	sdelay $0x1  }
0x154: {  	v20 =	vadd.s32 v17, v20;
	_ =	sdelay $0x1  }
0x155: {  	v19 =	vperm.xlane v19, v18;
	_ =	sdelay $0x1  }
0x156: {  	v19 =	vadd.s32 v17, v19  }
0x157: {  	[tilespmem:s26], [sflag:$0x1] =	stream.indirect_vreg.gather [hbm4b:s4+s2], $0x80, v20, vm0, $0xb8;
	[tilespmem:$0x18400] =	vst v63  }
0x158: {  	_ = 	snop  }
0x159: {  	[tilespmem:s28], [sflag:$0x1] =	stream.indirect_vreg.gather [hbm4b:s6+s2], $0x80, v20, vm0, $0xb8;
	[tilespmem:$0x18400] =	vst v63  }
0x15a: {  	_ = 	snop  }
0x15b: {  	[tilespmem:s29], [sflag:$0x1] =	stream.indirect_vreg.gather [hbm4b:s4+s2], $0x80, v19, vm0, $0xb8;
	[tilespmem:$0x18400] =	vst v63  }
0x15c: {  	s21 =	simm.s32 $0x3  }
0x15d: {  	[tilespmem:s30], [sflag:$0x1] =	stream.indirect_vreg.gather [hbm4b:s6+s2], $0x80, v19, vm0, $0xb8;
	[tilespmem:$0x18400] =	vst v63  }
0x15e: {  	_ =	swait.ge [sflag:s21], $0x4000  }
0x15f: {  	[sflag:s21] =	ssyncset.done $0x0  }
0x160: {  	s23 =	rddreg [dreg:$0x7];
	[sflag:s21] =	ssyncadd.s32 $0xFFFFC000  }
0x161: {  	[hbm4b:s23+s2] =	stream.linear.scatter [tilespmem:s17], [sflag:$0x9], $0x4000, $0x38;
	[tilespmem:$0x18400] =	vst v63  }
0x162: {  	_ =	swait.ge [sflag:s9], $0x4000  }
0x163: {  	[sflag:s9] =	ssyncset.done $0x0  }
0x164: {  	[sflag:s9] =	ssyncadd.s32 $0xFFFFC000  }
0x165: {  	v19 =	vld [tilespmem:$0x3E0];
	_ =	sdelay $0x4  }
0x166: {  	v20 =	vshll.u32 v19, $0x2  }
0x167: {  	v19 =	vand.u32 $0x7, v19;
	v20 =	vand.u32 $0xFFFFFFE0, v20  }
0x168: {  	v19 =	vor.u32 v19, v20  }
0x169: {  	v20 =	vperm.xlane v19, v16;
	_ =	sdelay $0x1  }
0x16a: {  	v20 =	vadd.s32 v17, v20;
	_ =	sdelay $0x1  }
0x16b: {  	v19 =	vperm.xlane v19, v18;
	_ =	sdelay $0x1  }
0x16c: {  	v19 =	vadd.s32 v17, v19  }
0x16d: {  	[tilespmem:s20], [sflag:$0x2] =	stream.indirect_vreg.gather [hbm4b:s4+s2], $0x80, v20, vm0, $0xb8;
	[tilespmem:$0x18400] =	vst v63  }
0x16e: {  	_ = 	snop  }
0x16f: {  	[tilespmem:s31], [sflag:$0x2] =	stream.indirect_vreg.gather [hbm4b:s6+s2], $0x80, v20, vm0, $0xb8;
	[tilespmem:$0x18400] =	vst v63  }
0x170: {  	_ = 	snop  }
0x171: {  	[tilespmem:s1], [sflag:$0x2] =	stream.indirect_vreg.gather [hbm4b:s4+s2], $0x80, v19, vm0, $0xb8;
	[tilespmem:$0x18400] =	vst v63  }
0x172: {  	_ = 	snop  }
0x173: {  	[tilespmem:s3], [sflag:$0x2] =	stream.indirect_vreg.gather [hbm4b:s6+s2], $0x80, v19, vm0, $0xb8;
	[tilespmem:$0x18400] =	vst v63  }
0x174: {  	v19 =	vld [tilespmem:$0x3F0];
	_ =	sdelay $0x4  }
0x175: {  	v20 =	vshll.u32 v19, $0x2  }
0x176: {  	v19 =	vand.u32 $0x7, v19;
	v20 =	vand.u32 $0xFFFFFFE0, v20  }
0x177: {  	v19 =	vor.u32 v19, v20  }
0x178: {  	v20 =	vperm.xlane v19, v16;
	_ =	sdelay $0x1  }
0x179: {  	v20 =	vadd.s32 v17, v20;
	_ =	sdelay $0x1  }
0x17a: {  	v19 =	vperm.xlane v19, v18;
	_ =	sdelay $0x1  }
0x17b: {  	v19 =	vadd.s32 v17, v19  }
0x17c: {  	[tilespmem:s13], [sflag:$0x2] =	stream.indirect_vreg.gather [hbm4b:s4+s2], $0x80, v20, vm0, $0xb8;
	[tilespmem:$0x18400] =	vst v63  }
0x17d: {  	_ = 	snop  }
0x17e: {  	[tilespmem:s14], [sflag:$0x2] =	stream.indirect_vreg.gather [hbm4b:s6+s2], $0x80, v20, vm0, $0xb8;
	[tilespmem:$0x18400] =	vst v63  }
0x17f: {  	_ = 	snop  }
0x180: {  	[tilespmem:s15], [sflag:$0x2] =	stream.indirect_vreg.gather [hbm4b:s4+s2], $0x80, v19, vm0, $0xb8;
	[tilespmem:$0x18400] =	vst v63  }
0x181: {  	s22 =	simm.s32 $0x4  }
0x182: {  	[tilespmem:s16], [sflag:$0x2] =	stream.indirect_vreg.gather [hbm4b:s6+s2], $0x80, v19, vm0, $0xb8;
	[tilespmem:$0x18400] =	vst v63  }
0x183: {  	_ =	swait.ge [sflag:s22], $0x4000  }
0x184: {  	[sflag:s22] =	ssyncset.done $0x0  }
0x185: {  	s23 =	rddreg [dreg:$0x8];
	[sflag:s22] =	ssyncadd.s32 $0xFFFFC000;
	s22 =	simm.s32 $0x5  }
0x186: {  	[hbm4b:s23+s2] =	stream.linear.scatter [tilespmem:s18], [sflag:$0xA], $0x4000, $0x38;
	[tilespmem:$0x18400] =	vst v63  }
0x187: {  	_ =	swait.ge [sflag:s22], $0x4000  }
0x188: {  	[sflag:s22] =	ssyncset.done $0x0  }
0x189: {  	s23 =	rddreg [dreg:$0x9];
	[sflag:s22] =	ssyncadd.s32 $0xFFFFC000;
	s22 =	simm.s32 $0x6  }
0x18a: {  	[hbm4b:s23+s2] =	stream.linear.scatter [tilespmem:s19], [sflag:$0xB], $0x4000, $0x38;
	[tilespmem:$0x18400] =	vst v63  }
0x18b: {  	_ =	swait.ge [sflag:s22], $0x4000  }
0x18c: {  	[sflag:s22] =	ssyncset.done $0x0  }
0x18d: {  	s23 =	rddreg [dreg:$0xa];
	[sflag:s22] =	ssyncadd.s32 $0xFFFFC000  }
0x18e: {  	[hbm4b:s23+s2] =	stream.linear.scatter [tilespmem:s5], [sflag:$0xC], $0x4000, $0x38;
	[tilespmem:$0x18400] =	vst v63  }
0x18f: {  	_ =	swait.ge [sflag:s10], $0x4000  }
0x190: {  	[sflag:s10] =	ssyncset.done $0x0  }
0x191: {  	s1 =	rddreg [dreg:$0xb];
	[sflag:s10] =	ssyncadd.s32 $0xFFFFC000  }
0x192: {  	[hbm4b:s1+s2] =	stream.linear.scatter [tilespmem:s12], [sflag:$0x7], $0x4000, $0x38;
	[tilespmem:$0x18400] =	vst v63  }
0x193: {  	_ =	swait.ge [sflag:s11], $0x4000  }
0x194: {  	[sflag:s11] =	ssyncset.done $0x0  }
0x195: {  	s22 =	rddreg [dreg:$0xc];
	[sflag:s11] =	ssyncadd.s32 $0xFFFFC000  }
0x196: {  	[hbm4b:s22+s2] =	stream.linear.scatter [tilespmem:s20], [sflag:$0x8], $0x4000, $0x38;
	[tilespmem:$0x18400] =	vst v63  }
0x197: {  	_ =	swait.ge [sflag:s0], $0x4000  }
0x198: {  	[sflag:s0] =	ssyncset.done $0x0  }
0x199: {  	[sflag:s0] =	ssyncadd.s32 $0xFFFFC000  }
0x19a: {  	_ =	swait.ge [sflag:s9], $0x4000  }
0x19b: {  	[sflag:s9] =	ssyncset.done $0x0  }
0x19c: {  	s23 =	simm.s32 $0x9;
	[sflag:s9] =	ssyncadd.s32 $0xFFFFC000  }
0x19d: {  	_ =	swait.ge [sflag:s23], $0x4000  }
0x19e: {  	[sflag:s23] =	ssyncset.done $0x0  }
0x19f: {  	s21 =	simm.s32 $0xA;
	[sflag:s23] =	ssyncadd.s32 $0xFFFFC000  }
0x1a0: {  	_ =	swait.ge [sflag:s21], $0x4000  }
0x1a1: {  	[sflag:s21] =	ssyncset.done $0x0  }
0x1a2: {  	s22 =	simm.s32 $0xB;
	[sflag:s21] =	ssyncadd.s32 $0xFFFFC000  }
0x1a3: {  	p0 =	sne.s32 s7, $0x1;
	_ =	swait.ge [sflag:s22], $0x4000  }
.Ltmp0:
0x1a4: {  	[sflag:s22] =	ssyncset.done $0x0;
	(pc) =	sbr.rel @p0 .LBB2_1-.Ltmp0, $4  }
0x1a5: {  	s23 =	simm.s32 $0xC;
	[sflag:s22] =	ssyncadd.s32 $0xFFFFC000  }
0x1a6: {  	_ =	swait.ge [sflag:s23], $0x4000  }
0x1a7: {  	[sflag:s23] =	ssyncset.done $0x0  }
0x1a8: {  	s7 =	sadd.s32 $0xFFFFFFFF, s7;
	[sflag:s23] =	ssyncadd.s32 $0xFFFFC000  }
0x1a9: {  	_ =	sfence.sel $0x180000  }
0x1aa: {  	[bflag:$0x0] =	sbarrier.arrive $0xFFFF  }
0x1ab: {  	_ =	strace $0x90000047  }
0x1ac: {  	s0 =	stileid.u32;
	[bflag:$0x2] =	sbarrier.arrive $0xFFFF  }
0x1ad: {  	p0 =	sne.s32 s0, $0x0;
	s0 =	rddreg [dreg:$0x3]  }
0x1ae: {  	s0 =	sadd.s32 @!p0 $0x100000, s0  }
0x1af: {  	[sflag:s0] =	ssyncadd.tile.s32 @!p0 $0x1;
	_ =	shalt  }
.Lfunc_end2:
_tile_overlayer_lowered:
.L_overlay_start_2:
0x1b0: {  	(tag) =	ssettag $0x2  }
0x1b1: {  	s0 =	rddreg [dreg:$0x0];
	s2 =	stileid.u32  }
0x1b2: {  	s1 =	rddreg [dreg:$0x1];
	p0 =	sne.s32 s2, $0x0  }
0x1b3: {  	s3 =	rddreg [dreg:$0x2];
	[bflag:$0x3] =	sbarrier.arrive $0xFFFF;
	s2 =	simm.s32 @!p0 $0x1C0D  }
0x1b4: {  	[timem:s3], [sflag:s2] =	dma.local @!p0 [hbm:s0], s1  }
0x1b5: {  	s0 =	simm.s32 @!p0 $0xD  }
0x1b6: {  	_ =	swait.ge @!p0 [sflag:s0], s1  }
0x1b7: {  	s1 =	ssub.s32 @!p0 $0x0, s1;
	[sflag:s0] =	ssyncset.done @!p0 $0x0  }
0x1b8: {  	[sflag:s0] =	ssyncadd.s32 @!p0 s1  }
0x1b9: {  	[bflag:$0x3] =	sbarrier.arrive $0xFFFF  }
0x1ba: {  	_ =	shalt  }

</sc_bundles>
